<compile_context>
chip_gen: v7x
topology: tpu7x:2x2x1
jax: 0.10.2.dev20260603
libtpu: 0.0.44.dev20260713+nightly
codegen_flags: <defaults>
</compile_context>

<pallas_src>
import functools
import math

import jax
import jax.numpy as jnp
from jax import lax
from jax.experimental import pallas as pl
from jax.experimental.pallas import tpu as pltpu
from jax.experimental.pallas import tpu_sc as plsc

N = 4096
V = 32000
SMOOTHING = 0.1
CONFIDENCE = 1.0 - SMOOTHING
EPS = SMOOTHING / (V - 1)
ROW_CONST = CONFIDENCE * math.log(CONFIDENCE) + SMOOTHING * math.log(EPS)

_TC_ROWS = 3072

_BR = 128


def _tc_body(m_ref, x_ref, o_ref):
    i = pl.program_id(0)
    part = jnp.sum(x_ref[...] * m_ref[...][:, None], keepdims=True)

    @pl.when(i == 0)
    def _init():
        o_ref[...] = jnp.zeros_like(o_ref)

    o_ref[...] += part


_tc_masked_sum = pl.pallas_call(
    _tc_body,
    grid=(_TC_ROWS // _BR,),
    in_specs=[
        pl.BlockSpec((_BR,), lambda i: (i,)),
        pl.BlockSpec((_BR, V), lambda i: (i, 0)),
    ],
    out_specs=pl.BlockSpec((1, 1), lambda i: (0, 0)),
    out_shape=jax.ShapeDtypeStruct((1, 1), jnp.float32),
)

_NC = 2
_NS = 16
_NW = _NC * _NS
_RPW = N // _NW
_SC_ROWS = N - _TC_ROWS
_DPW = _SC_ROWS // _NW
_UNROLL = 20


def _row_acc(buf, acc):

    def step(k, a):
        base = k * (16 * _UNROLL)
        vals = [buf[pl.ds(base + u * 16, 16)] for u in range(_UNROLL)]
        while len(vals) > 1:
            vals = [vals[i] + vals[i + 1] for i in range(0, len(vals) - 1, 2)] + (
                [vals[-1]] if len(vals) % 2 else [])
        return a + vals[0]

    return lax.fori_loop(0, V // (16 * _UNROLL), step, acc)


def _sc_make():
    mesh = plsc.VectorSubcoreMesh(core_axis_name="c", subcore_axis_name="s")

    @functools.partial(
        pl.kernel,
        mesh=mesh,
        out_type=[
            jax.ShapeDtypeStruct((_NW, 16), jnp.float32),
            jax.ShapeDtypeStruct((_NW, 16), jnp.float32),
            jax.ShapeDtypeStruct((_NW, 16), jnp.float32),
        ],
        scratch_types=[
            pltpu.VMEM((_RPW,), jnp.int32),
            pltpu.VMEM((_RPW,), jnp.int32),
            pltpu.VMEM((_RPW,), jnp.int32),
            pltpu.VMEM((_RPW,), jnp.float32),
            pltpu.VMEM((_DPW * 16,), jnp.float32),
            pltpu.VMEM((V,), jnp.float32),
            pltpu.VMEM((V,), jnp.float32),
            pltpu.VMEM((16,), jnp.float32),
            pltpu.SemaphoreType.DMA,
            pltpu.SemaphoreType.DMA,
            pltpu.SemaphoreType.DMA,
        ],
    )
    def sc_gather(x_hbm, x2_hbm, tgt_hbm, msk_hbm, mrep_hbm, g_out, m_out, s_out,
                  t_v, m_v, idx_v, g_v, dmf_v, buf0, buf1, st_v,
                  gsem, sem0, sem1):
        wid = lax.axis_index("s") * _NC + lax.axis_index("c")

        base = wid * _RPW
        pltpu.sync_copy(tgt_hbm.at[pl.ds(base, _RPW)], t_v)
        pltpu.sync_copy(msk_hbm.at[pl.ds(base, _RPW)], m_v)
        for i in range(_RPW // 16):
            rows = lax.iota(jnp.int32, 16) + (base + i * 16)
            idx_v[pl.ds(i * 16, 16)] = rows * V + t_v[pl.ds(i * 16, 16)]
        pltpu.async_copy(x_hbm.at[idx_v], g_v, gsem).wait()
        ag = jnp.zeros((16,), jnp.float32)
        am = jnp.zeros((16,), jnp.float32)
        for i in range(_RPW // 16):
            mf = m_v[pl.ds(i * 16, 16)].astype(jnp.float32)
            ag = ag + g_v[pl.ds(i * 16, 16)] * mf
            am = am + mf
        st_v[...] = ag
        pltpu.sync_copy(st_v, g_out.at[wid])
        st_v[...] = am
        pltpu.sync_copy(st_v, m_out.at[wid])

        dbase = _TC_ROWS + wid * _DPW
        pltpu.sync_copy(mrep_hbm.at[pl.ds(wid * _DPW * 16, _DPW * 16)], dmf_v)

        pltpu.async_copy(x2_hbm.at[dbase], buf0, sem0)

        def pair(j2, acc):
            ra = dbase + 2 * j2
            pltpu.make_async_copy(x2_hbm.at[ra], buf0, sem0).wait()
            pltpu.async_copy(x2_hbm.at[ra + 1], buf1, sem1)
            r = _row_acc(buf0, jnp.zeros((16,), jnp.float32))
            acc = acc + r * dmf_v[pl.ds(2 * j2 * 16, 16)]

            pltpu.make_async_copy(x2_hbm.at[ra + 1], buf1, sem1).wait()

            @pl.when(j2 + 1 < _DPW // 2)
            def _prefetch():
                pltpu.async_copy(x2_hbm.at[ra + 2], buf0, sem0)

            r = _row_acc(buf1, jnp.zeros((16,), jnp.float32))
            return acc + r * dmf_v[pl.ds((2 * j2 + 1) * 16, 16)]

        asum = lax.fori_loop(0, _DPW // 2, pair, jnp.zeros((16,), jnp.float32))
        st_v[...] = asum
        pltpu.sync_copy(st_v, s_out.at[wid])

    return sc_gather


_sc_gather = _sc_make()


def kernel(x, target, target_mask):
    tgt = target.astype(jnp.int32)
    msk = target_mask.astype(jnp.int32)
    mrep = jnp.repeat(target_mask[_TC_ROWS:].astype(jnp.float32), 16)
    g_parts, m_parts, s_parts = _sc_gather(x.reshape(-1), x, tgt, msk, mrep)
    s_tc = _tc_masked_sum(target_mask.astype(jnp.float32), x)[0, 0]
    s_masked = s_tc + jnp.sum(s_parts)
    g = jnp.sum(g_parts)
    m = jnp.sum(m_parts)
    return m * ROW_CONST - EPS * s_masked - (CONFIDENCE - EPS) * g

# --- scband reference (transcript-rebuilt; emitter-appended) ---
"""Pipeline reference for scband-label-smoothing-25503515803674 (READ-ONLY COPY).

The authoritative reference and input builder live on the scoring server;
editing this copy changes nothing except your own understanding.
"""

import jax, jax.numpy as jnp
import numpy as np

N = 4096
V = 32000
SMOOTHING = 0.1
CONFIDENCE = 1.0 - SMOOTHING


def setup_inputs(seed: int = 0) -> dict:
    key = jax.random.key(seed)
    k1, k2, k3 = jax.random.split(key, 3)
    # x plays the role of log-probabilities fed to KLDivLoss
    x = jax.random.normal(k1, (N, V), dtype=jnp.float32)
    target = jax.random.randint(k2, (N,), 0, V, dtype=jnp.int64)
    target_mask = jax.random.randint(k3, (N,), 0, 2, dtype=jnp.int32)
    return {"x": x, "target": target, "target_mask": target_mask}


def reference(x, target, target_mask):
    # true_dist: smoothing mass everywhere, confidence at target index
    true_dist = jnp.full_like(x, SMOOTHING / (V - 1))
    rows = jnp.arange(x.shape[0])
    true_dist = true_dist.at[rows, target].set(CONFIDENCE)
    # zero out rows where mask is False (true_dist[~mask] = 0)
    true_dist = true_dist * target_mask.astype(x.dtype)[:, None]
    # KLDivLoss(reduction='sum'): sum t * (log t - x), with 0*log0 := 0
    safe_t = jnp.where(true_dist > 0, true_dist, 1.0)
    loss = jnp.sum(jnp.where(true_dist > 0, true_dist * (jnp.log(safe_t) - x), 0.0))
    return loss

if __name__ == "__main__":
    import jax
    _d = setup_inputs()
    print(jax.jit(kernel)(*tuple(_d.values())))

</pallas_src>

<mosaic_0001>
#map = affine_map<(d0, d1) -> (0)>
#map1 = affine_map<(d0, d1) -> (0, 0)>
module attributes {stable_mosaic.version = 14 : i64} {
  func.func @sc_gather(%arg0: i32, %arg1: i32, %arg2: memref<131072000xf32, #tpu.memory_space<hbm>>, %arg3: memref<4096x32000xf32, #tpu.memory_space<hbm>>, %arg4: memref<4096xi32, #tpu.memory_space<hbm>>, %arg5: memref<4096xi32, #tpu.memory_space<hbm>>, %arg6: memref<16384xf32, #tpu.memory_space<hbm>>, %arg7: memref<32x16xf32, #tpu.memory_space<hbm>>, %arg8: memref<32x16xf32, #tpu.memory_space<hbm>>, %arg9: memref<32x16xf32, #tpu.memory_space<hbm>>, %arg10: memref<128xi32, #tpu.memory_space<vmem>>, %arg11: memref<128xi32, #tpu.memory_space<vmem>>, %arg12: memref<128xi32, #tpu.memory_space<vmem>>, %arg13: memref<128xf32, #tpu.memory_space<vmem>>, %arg14: memref<512xf32, #tpu.memory_space<vmem>>, %arg15: memref<32000xf32, #tpu.memory_space<vmem>>, %arg16: memref<32000xf32, #tpu.memory_space<vmem>>, %arg17: memref<16xf32, #tpu.memory_space<vmem>>, %arg18: memref<!tpu.dma_semaphore, #tpu.memory_space<semaphore_mem>>, %arg19: memref<!tpu.dma_semaphore, #tpu.memory_space<semaphore_mem>>, %arg20: memref<!tpu.dma_semaphore, #tpu.memory_space<semaphore_mem>>) attributes {dimension_semantics = [#tpu.dimension_semantics<core_parallel>, #tpu.dimension_semantics<subcore_parallel>], iteration_bounds = array<i64: 2, 16>, scalar_prefetch = 0 : i64, scratch_operands = 11 : i64, tpu.core_type = #tpu.core_type<sc_vector_subcore>, window_params = [{transform_indices = #map}, {transform_indices = #map1}, {transform_indices = #map}, {transform_indices = #map}, {transform_indices = #map}, {transform_indices = #map1}, {transform_indices = #map1}, {transform_indices = #map1}]} {
    %mul3A = arith.constant 2 : i32
    %mul3A_0 = arith.muli %arg1, %mul3A : i32
    %add3A = arith.addi %mul3A_0, %arg0 : i32
    %mul3A_1 = arith.constant 128 : i32
    %mul3A_2 = arith.muli %add3A, %mul3A_1 : i32
    "tpu.region"() ({
      %run_scoped3A = tpu.sem_alloc : memref<!tpu.dma_semaphore, #tpu.memory_space<semaphore_mem>>
      %dma_start3A_245 = tpu.memref_slice %arg4[%mul3A_2] : memref<4096xi32, #tpu.memory_space<hbm>> -> memref<128xi32, #tpu.memory_space<hbm>>
      %dma_start3A_246 = tpu.memref_slice %arg4[%mul3A_2] : memref<4096xi32, #tpu.memory_space<hbm>> -> memref<128xi32, #tpu.memory_space<hbm>>
      tpu.enqueue_dma source(%dma_start3A_246 : memref<128xi32, #tpu.memory_space<hbm>>) target(%arg10 : memref<128xi32, #tpu.memory_space<vmem>>) target_semaphore(%run_scoped3A : memref<!tpu.dma_semaphore, #tpu.memory_space<semaphore_mem>>)
      %dma_wait3A_247 = tpu.memref_slice %arg4[%mul3A_2] : memref<4096xi32, #tpu.memory_space<hbm>> -> memref<128xi32, #tpu.memory_space<hbm>>
      %dma_wait3A_248 = tpu.memref_slice %arg4[%mul3A_2] : memref<4096xi32, #tpu.memory_space<hbm>> -> memref<128xi32, #tpu.memory_space<hbm>>
      tpu.wait_dma2 semaphore(%run_scoped3A : memref<!tpu.dma_semaphore, #tpu.memory_space<semaphore_mem>>) src(%dma_wait3A_248 : memref<128xi32, #tpu.memory_space<hbm>>) dst(%arg10 : memref<128xi32, #tpu.memory_space<vmem>>)
      tpu.yield
    }) : () -> ()
    "tpu.region"() ({
      %run_scoped3A = tpu.sem_alloc : memref<!tpu.dma_semaphore, #tpu.memory_space<semaphore_mem>>
      %dma_start3A_245 = tpu.memref_slice %arg5[%mul3A_2] : memref<4096xi32, #tpu.memory_space<hbm>> -> memref<128xi32, #tpu.memory_space<hbm>>
      %dma_start3A_246 = tpu.memref_slice %arg5[%mul3A_2] : memref<4096xi32, #tpu.memory_space<hbm>> -> memref<128xi32, #tpu.memory_space<hbm>>
      tpu.enqueue_dma source(%dma_start3A_246 : memref<128xi32, #tpu.memory_space<hbm>>) target(%arg11 : memref<128xi32, #tpu.memory_space<vmem>>) target_semaphore(%run_scoped3A : memref<!tpu.dma_semaphore, #tpu.memory_space<semaphore_mem>>)
      %dma_wait3A_247 = tpu.memref_slice %arg5[%mul3A_2] : memref<4096xi32, #tpu.memory_space<hbm>> -> memref<128xi32, #tpu.memory_space<hbm>>
      %dma_wait3A_248 = tpu.memref_slice %arg5[%mul3A_2] : memref<4096xi32, #tpu.memory_space<hbm>> -> memref<128xi32, #tpu.memory_space<hbm>>
      tpu.wait_dma2 semaphore(%run_scoped3A : memref<!tpu.dma_semaphore, #tpu.memory_space<semaphore_mem>>) src(%dma_wait3A_248 : memref<128xi32, #tpu.memory_space<hbm>>) dst(%arg11 : memref<128xi32, #tpu.memory_space<vmem>>)
      tpu.yield
    }) : () -> ()
    %iota3A = tpu.iota {dimensions = array<i32: 0>} : vector<16xi32>
    %add3A_3 = arith.constant 0 : i32
    %add3A_4 = arith.addi %mul3A_2, %add3A_3 : i32
    %add3A_5 = vector.broadcast %add3A_4 : i32 to vector<16xi32>
    %add3A_6 = arith.addi %iota3A, %add3A_5 : vector<16xi32>
    %mul3A_7 = arith.constant 32000 : i32
    %mul3A_8 = vector.broadcast %mul3A_7 : i32 to vector<16xi32>
    %mul3A_9 = arith.muli %add3A_6, %mul3A_8 : vector<16xi32>
    %get3A = arith.constant 0 : index
    %get3A_10 = tpu.vector_load %arg10[%get3A] {strides = array<i32>} : memref<128xi32, #tpu.memory_space<vmem>>, vector<16xi32>,
    %get3A_11 = vector.shape_cast %get3A_10 : vector<16xi32> to vector<16xi32>
    %add3A_12 = arith.addi %mul3A_9, %get3A_11 : vector<16xi32>
    %swap3A = arith.constant 0 : index
    %swap3A_13 = tpu.vector_load %arg12[%swap3A] {strides = array<i32>} : memref<128xi32, #tpu.memory_space<vmem>>, vector<16xi32>,
    %swap3A_14 = vector.shape_cast %swap3A_13 : vector<16xi32> to vector<16xi32>
    %swap3A_15 = vector.shape_cast %add3A_12 : vector<16xi32> to vector<16xi32>
    tpu.vector_store %arg12[%swap3A], %swap3A_15 {strides = array<i32>} : memref<128xi32, #tpu.memory_space<vmem>>, vector<16xi32>,
    %iota3A_16 = tpu.iota {dimensions = array<i32: 0>} : vector<16xi32>
    %add3A_17 = arith.constant 16 : i32
    %add3A_18 = arith.addi %mul3A_2, %add3A_17 : i32
    %add3A_19 = vector.broadcast %add3A_18 : i32 to vector<16xi32>
    %add3A_20 = arith.addi %iota3A_16, %add3A_19 : vector<16xi32>
    %mul3A_21 = arith.constant 32000 : i32
    %mul3A_22 = vector.broadcast %mul3A_21 : i32 to vector<16xi32>
    %mul3A_23 = arith.muli %add3A_20, %mul3A_22 : vector<16xi32>
    %get3A_24 = arith.constant 16 : index
    %get3A_25 = tpu.vector_load %arg10[%get3A_24] {strides = array<i32>} : memref<128xi32, #tpu.memory_space<vmem>>, vector<16xi32>,
    %get3A_26 = vector.shape_cast %get3A_25 : vector<16xi32> to vector<16xi32>
    %add3A_27 = arith.addi %mul3A_23, %get3A_26 : vector<16xi32>
    %swap3A_28 = arith.constant 16 : index
    %swap3A_29 = tpu.vector_load %arg12[%swap3A_28] {strides = array<i32>} : memref<128xi32, #tpu.memory_space<vmem>>, vector<16xi32>,
    %swap3A_30 = vector.shape_cast %swap3A_29 : vector<16xi32> to vector<16xi32>
    %swap3A_31 = vector.shape_cast %add3A_27 : vector<16xi32> to vector<16xi32>
    tpu.vector_store %arg12[%swap3A_28], %swap3A_31 {strides = array<i32>} : memref<128xi32, #tpu.memory_space<vmem>>, vector<16xi32>,
    %iota3A_32 = tpu.iota {dimensions = array<i32: 0>} : vector<16xi32>
    %add3A_33 = arith.constant 32 : i32
    %add3A_34 = arith.addi %mul3A_2, %add3A_33 : i32
    %add3A_35 = vector.broadcast %add3A_34 : i32 to vector<16xi32>
    %add3A_36 = arith.addi %iota3A_32, %add3A_35 : vector<16xi32>
    %mul3A_37 = arith.constant 32000 : i32
    %mul3A_38 = vector.broadcast %mul3A_37 : i32 to vector<16xi32>
    %mul3A_39 = arith.muli %add3A_36, %mul3A_38 : vector<16xi32>
    %get3A_40 = arith.constant 32 : index
    %get3A_41 = tpu.vector_load %arg10[%get3A_40] {strides = array<i32>} : memref<128xi32, #tpu.memory_space<vmem>>, vector<16xi32>,
    %get3A_42 = vector.shape_cast %get3A_41 : vector<16xi32> to vector<16xi32>
    %add3A_43 = arith.addi %mul3A_39, %get3A_42 : vector<16xi32>
    %swap3A_44 = arith.constant 32 : index
    %swap3A_45 = tpu.vector_load %arg12[%swap3A_44] {strides = array<i32>} : memref<128xi32, #tpu.memory_space<vmem>>, vector<16xi32>,
    %swap3A_46 = vector.shape_cast %swap3A_45 : vector<16xi32> to vector<16xi32>
    %swap3A_47 = vector.shape_cast %add3A_43 : vector<16xi32> to vector<16xi32>
    tpu.vector_store %arg12[%swap3A_44], %swap3A_47 {strides = array<i32>} : memref<128xi32, #tpu.memory_space<vmem>>, vector<16xi32>,
    %iota3A_48 = tpu.iota {dimensions = array<i32: 0>} : vector<16xi32>
    %add3A_49 = arith.constant 48 : i32
    %add3A_50 = arith.addi %mul3A_2, %add3A_49 : i32
    %add3A_51 = vector.broadcast %add3A_50 : i32 to vector<16xi32>
    %add3A_52 = arith.addi %iota3A_48, %add3A_51 : vector<16xi32>
    %mul3A_53 = arith.constant 32000 : i32
    %mul3A_54 = vector.broadcast %mul3A_53 : i32 to vector<16xi32>
    %mul3A_55 = arith.muli %add3A_52, %mul3A_54 : vector<16xi32>
    %get3A_56 = arith.constant 48 : index
    %get3A_57 = tpu.vector_load %arg10[%get3A_56] {strides = array<i32>} : memref<128xi32, #tpu.memory_space<vmem>>, vector<16xi32>,
    %get3A_58 = vector.shape_cast %get3A_57 : vector<16xi32> to vector<16xi32>
    %add3A_59 = arith.addi %mul3A_55, %get3A_58 : vector<16xi32>
    %swap3A_60 = arith.constant 48 : index
    %swap3A_61 = tpu.vector_load %arg12[%swap3A_60] {strides = array<i32>} : memref<128xi32, #tpu.memory_space<vmem>>, vector<16xi32>,
    %swap3A_62 = vector.shape_cast %swap3A_61 : vector<16xi32> to vector<16xi32>
    %swap3A_63 = vector.shape_cast %add3A_59 : vector<16xi32> to vector<16xi32>
    tpu.vector_store %arg12[%swap3A_60], %swap3A_63 {strides = array<i32>} : memref<128xi32, #tpu.memory_space<vmem>>, vector<16xi32>,
    %iota3A_64 = tpu.iota {dimensions = array<i32: 0>} : vector<16xi32>
    %add3A_65 = arith.constant 64 : i32
    %add3A_66 = arith.addi %mul3A_2, %add3A_65 : i32
    %add3A_67 = vector.broadcast %add3A_66 : i32 to vector<16xi32>
    %add3A_68 = arith.addi %iota3A_64, %add3A_67 : vector<16xi32>
    %mul3A_69 = arith.constant 32000 : i32
    %mul3A_70 = vector.broadcast %mul3A_69 : i32 to vector<16xi32>
    %mul3A_71 = arith.muli %add3A_68, %mul3A_70 : vector<16xi32>
    %get3A_72 = arith.constant 64 : index
    %get3A_73 = tpu.vector_load %arg10[%get3A_72] {strides = array<i32>} : memref<128xi32, #tpu.memory_space<vmem>>, vector<16xi32>,
    %get3A_74 = vector.shape_cast %get3A_73 : vector<16xi32> to vector<16xi32>
    %add3A_75 = arith.addi %mul3A_71, %get3A_74 : vector<16xi32>
    %swap3A_76 = arith.constant 64 : index
    %swap3A_77 = tpu.vector_load %arg12[%swap3A_76] {strides = array<i32>} : memref<128xi32, #tpu.memory_space<vmem>>, vector<16xi32>,
    %swap3A_78 = vector.shape_cast %swap3A_77 : vector<16xi32> to vector<16xi32>
    %swap3A_79 = vector.shape_cast %add3A_75 : vector<16xi32> to vector<16xi32>
    tpu.vector_store %arg12[%swap3A_76], %swap3A_79 {strides = array<i32>} : memref<128xi32, #tpu.memory_space<vmem>>, vector<16xi32>,
    %iota3A_80 = tpu.iota {dimensions = array<i32: 0>} : vector<16xi32>
    %add3A_81 = arith.constant 80 : i32
    %add3A_82 = arith.addi %mul3A_2, %add3A_81 : i32
    %add3A_83 = vector.broadcast %add3A_82 : i32 to vector<16xi32>
    %add3A_84 = arith.addi %iota3A_80, %add3A_83 : vector<16xi32>
    %mul3A_85 = arith.constant 32000 : i32
    %mul3A_86 = vector.broadcast %mul3A_85 : i32 to vector<16xi32>
    %mul3A_87 = arith.muli %add3A_84, %mul3A_86 : vector<16xi32>
    %get3A_88 = arith.constant 80 : index
    %get3A_89 = tpu.vector_load %arg10[%get3A_88] {strides = array<i32>} : memref<128xi32, #tpu.memory_space<vmem>>, vector<16xi32>,
    %get3A_90 = vector.shape_cast %get3A_89 : vector<16xi32> to vector<16xi32>
    %add3A_91 = arith.addi %mul3A_87, %get3A_90 : vector<16xi32>
    %swap3A_92 = arith.constant 80 : index
    %swap3A_93 = tpu.vector_load %arg12[%swap3A_92] {strides = array<i32>} : memref<128xi32, #tpu.memory_space<vmem>>, vector<16xi32>,
    %swap3A_94 = vector.shape_cast %swap3A_93 : vector<16xi32> to vector<16xi32>
    %swap3A_95 = vector.shape_cast %add3A_91 : vector<16xi32> to vector<16xi32>
    tpu.vector_store %arg12[%swap3A_92], %swap3A_95 {strides = array<i32>} : memref<128xi32, #tpu.memory_space<vmem>>, vector<16xi32>,
    %iota3A_96 = tpu.iota {dimensions = array<i32: 0>} : vector<16xi32>
    %add3A_97 = arith.constant 96 : i32
    %add3A_98 = arith.addi %mul3A_2, %add3A_97 : i32
    %add3A_99 = vector.broadcast %add3A_98 : i32 to vector<16xi32>
    %add3A_100 = arith.addi %iota3A_96, %add3A_99 : vector<16xi32>
    %mul3A_101 = arith.constant 32000 : i32
    %mul3A_102 = vector.broadcast %mul3A_101 : i32 to vector<16xi32>
    %mul3A_103 = arith.muli %add3A_100, %mul3A_102 : vector<16xi32>
    %get3A_104 = arith.constant 96 : index
    %get3A_105 = tpu.vector_load %arg10[%get3A_104] {strides = array<i32>} : memref<128xi32, #tpu.memory_space<vmem>>, vector<16xi32>,
    %get3A_106 = vector.shape_cast %get3A_105 : vector<16xi32> to vector<16xi32>
    %add3A_107 = arith.addi %mul3A_103, %get3A_106 : vector<16xi32>
    %swap3A_108 = arith.constant 96 : index
    %swap3A_109 = tpu.vector_load %arg12[%swap3A_108] {strides = array<i32>} : memref<128xi32, #tpu.memory_space<vmem>>, vector<16xi32>,
    %swap3A_110 = vector.shape_cast %swap3A_109 : vector<16xi32> to vector<16xi32>
    %swap3A_111 = vector.shape_cast %add3A_107 : vector<16xi32> to vector<16xi32>
    tpu.vector_store %arg12[%swap3A_108], %swap3A_111 {strides = array<i32>} : memref<128xi32, #tpu.memory_space<vmem>>, vector<16xi32>,
    %iota3A_112 = tpu.iota {dimensions = array<i32: 0>} : vector<16xi32>
    %add3A_113 = arith.constant 112 : i32
    %add3A_114 = arith.addi %mul3A_2, %add3A_113 : i32
    %add3A_115 = vector.broadcast %add3A_114 : i32 to vector<16xi32>
    %add3A_116 = arith.addi %iota3A_112, %add3A_115 : vector<16xi32>
    %mul3A_117 = arith.constant 32000 : i32
    %mul3A_118 = vector.broadcast %mul3A_117 : i32 to vector<16xi32>
    %mul3A_119 = arith.muli %add3A_116, %mul3A_118 : vector<16xi32>
    %get3A_120 = arith.constant 112 : index
    %get3A_121 = tpu.vector_load %arg10[%get3A_120] {strides = array<i32>} : memref<128xi32, #tpu.memory_space<vmem>>, vector<16xi32>,
    %get3A_122 = vector.shape_cast %get3A_121 : vector<16xi32> to vector<16xi32>
    %add3A_123 = arith.addi %mul3A_119, %get3A_122 : vector<16xi32>
    %swap3A_124 = arith.constant 112 : index
    %swap3A_125 = tpu.vector_load %arg12[%swap3A_124] {strides = array<i32>} : memref<128xi32, #tpu.memory_space<vmem>>, vector<16xi32>,
    %swap3A_126 = vector.shape_cast %swap3A_125 : vector<16xi32> to vector<16xi32>
    %swap3A_127 = vector.shape_cast %add3A_123 : vector<16xi32> to vector<16xi32>
    tpu.vector_store %arg12[%swap3A_124], %swap3A_127 {strides = array<i32>} : memref<128xi32, #tpu.memory_space<vmem>>, vector<16xi32>,
    %dma_start3A = arith.constant 0 : i32
    %dma_start3A_128 = tpu.memref_slice %arg2[%dma_start3A] : memref<131072000xf32, #tpu.memory_space<hbm>> -> memref<131072000xf32, #tpu.memory_space<hbm>>
    tpu.enqueue_indirect_dma source(%dma_start3A_128 : memref<131072000xf32, #tpu.memory_space<hbm>>) target(%arg13 : memref<128xf32, #tpu.memory_space<vmem>>) offsets(%arg12 : memref<128xi32, #tpu.memory_space<vmem>>) semaphore(%arg18 : memref<!tpu.dma_semaphore, #tpu.memory_space<semaphore_mem>>)
    %dma_wait3A = arith.constant 0 : i32
    %dma_wait3A_129 = tpu.memref_slice %arg2[%dma_wait3A] : memref<131072000xf32, #tpu.memory_space<hbm>> -> memref<131072000xf32, #tpu.memory_space<hbm>>
    tpu.wait_indirect_dma semaphore(%arg18 : memref<!tpu.dma_semaphore, #tpu.memory_space<semaphore_mem>>) src(%dma_wait3A_129 : memref<131072000xf32, #tpu.memory_space<hbm>>) dst(%arg13 : memref<128xf32, #tpu.memory_space<vmem>>)
    %broadcast_in_dim3A = arith.constant 0.000000e+00 : f32
    %broadcast_in_dim3A_130 = vector.broadcast %broadcast_in_dim3A : f32 to vector<16xf32>
    %broadcast_in_dim3A_131 = arith.constant 0.000000e+00 : f32
    %broadcast_in_dim3A_132 = vector.broadcast %broadcast_in_dim3A_131 : f32 to vector<16xf32>
    %get3A_133 = arith.constant 0 : index
    %get3A_134 = tpu.vector_load %arg11[%get3A_133] {strides = array<i32>} : memref<128xi32, #tpu.memory_space<vmem>>, vector<16xi32>,
    %get3A_135 = vector.shape_cast %get3A_134 : vector<16xi32> to vector<16xi32>
    %convert_element_type3A = arith.sitofp %get3A_135 : vector<16xi32> to vector<16xf32>
    %get3A_136 = arith.constant 0 : index
    %get3A_137 = tpu.vector_load %arg13[%get3A_136] {strides = array<i32>} : memref<128xf32, #tpu.memory_space<vmem>>, vector<16xf32>,
    %get3A_138 = vector.shape_cast %get3A_137 : vector<16xf32> to vector<16xf32>
    %mul3A_139 = arith.mulf %get3A_138, %convert_element_type3A : vector<16xf32>
    %add3A_140 = arith.addf %broadcast_in_dim3A_130, %mul3A_139 : vector<16xf32>
    %add3A_141 = arith.addf %broadcast_in_dim3A_132, %convert_element_type3A : vector<16xf32>
    %get3A_142 = arith.constant 16 : index
    %get3A_143 = tpu.vector_load %arg11[%get3A_142] {strides = array<i32>} : memref<128xi32, #tpu.memory_space<vmem>>, vector<16xi32>,
    %get3A_144 = vector.shape_cast %get3A_143 : vector<16xi32> to vector<16xi32>
    %convert_element_type3A_145 = arith.sitofp %get3A_144 : vector<16xi32> to vector<16xf32>
    %get3A_146 = arith.constant 16 : index
    %get3A_147 = tpu.vector_load %arg13[%get3A_146] {strides = array<i32>} : memref<128xf32, #tpu.memory_space<vmem>>, vector<16xf32>,
    %get3A_148 = vector.shape_cast %get3A_147 : vector<16xf32> to vector<16xf32>
    %mul3A_149 = arith.mulf %get3A_148, %convert_element_type3A_145 : vector<16xf32>
    %add3A_150 = arith.addf %add3A_140, %mul3A_149 : vector<16xf32>
    %add3A_151 = arith.addf %add3A_141, %convert_element_type3A_145 : vector<16xf32>
    %get3A_152 = arith.constant 32 : index
    %get3A_153 = tpu.vector_load %arg11[%get3A_152] {strides = array<i32>} : memref<128xi32, #tpu.memory_space<vmem>>, vector<16xi32>,
    %get3A_154 = vector.shape_cast %get3A_153 : vector<16xi32> to vector<16xi32>
    %convert_element_type3A_155 = arith.sitofp %get3A_154 : vector<16xi32> to vector<16xf32>
    %get3A_156 = arith.constant 32 : index
    %get3A_157 = tpu.vector_load %arg13[%get3A_156] {strides = array<i32>} : memref<128xf32, #tpu.memory_space<vmem>>, vector<16xf32>,
    %get3A_158 = vector.shape_cast %get3A_157 : vector<16xf32> to vector<16xf32>
    %mul3A_159 = arith.mulf %get3A_158, %convert_element_type3A_155 : vector<16xf32>
    %add3A_160 = arith.addf %add3A_150, %mul3A_159 : vector<16xf32>
    %add3A_161 = arith.addf %add3A_151, %convert_element_type3A_155 : vector<16xf32>
    %get3A_162 = arith.constant 48 : index
    %get3A_163 = tpu.vector_load %arg11[%get3A_162] {strides = array<i32>} : memref<128xi32, #tpu.memory_space<vmem>>, vector<16xi32>,
    %get3A_164 = vector.shape_cast %get3A_163 : vector<16xi32> to vector<16xi32>
    %convert_element_type3A_165 = arith.sitofp %get3A_164 : vector<16xi32> to vector<16xf32>
    %get3A_166 = arith.constant 48 : index
    %get3A_167 = tpu.vector_load %arg13[%get3A_166] {strides = array<i32>} : memref<128xf32, #tpu.memory_space<vmem>>, vector<16xf32>,
    %get3A_168 = vector.shape_cast %get3A_167 : vector<16xf32> to vector<16xf32>
    %mul3A_169 = arith.mulf %get3A_168, %convert_element_type3A_165 : vector<16xf32>
    %add3A_170 = arith.addf %add3A_160, %mul3A_169 : vector<16xf32>
    %add3A_171 = arith.addf %add3A_161, %convert_element_type3A_165 : vector<16xf32>
    %get3A_172 = arith.constant 64 : index
    %get3A_173 = tpu.vector_load %arg11[%get3A_172] {strides = array<i32>} : memref<128xi32, #tpu.memory_space<vmem>>, vector<16xi32>,
    %get3A_174 = vector.shape_cast %get3A_173 : vector<16xi32> to vector<16xi32>
    %convert_element_type3A_175 = arith.sitofp %get3A_174 : vector<16xi32> to vector<16xf32>
    %get3A_176 = arith.constant 64 : index
    %get3A_177 = tpu.vector_load %arg13[%get3A_176] {strides = array<i32>} : memref<128xf32, #tpu.memory_space<vmem>>, vector<16xf32>,
    %get3A_178 = vector.shape_cast %get3A_177 : vector<16xf32> to vector<16xf32>
    %mul3A_179 = arith.mulf %get3A_178, %convert_element_type3A_175 : vector<16xf32>
    %add3A_180 = arith.addf %add3A_170, %mul3A_179 : vector<16xf32>
    %add3A_181 = arith.addf %add3A_171, %convert_element_type3A_175 : vector<16xf32>
    %get3A_182 = arith.constant 80 : index
    %get3A_183 = tpu.vector_load %arg11[%get3A_182] {strides = array<i32>} : memref<128xi32, #tpu.memory_space<vmem>>, vector<16xi32>,
    %get3A_184 = vector.shape_cast %get3A_183 : vector<16xi32> to vector<16xi32>
    %convert_element_type3A_185 = arith.sitofp %get3A_184 : vector<16xi32> to vector<16xf32>
    %get3A_186 = arith.constant 80 : index
    %get3A_187 = tpu.vector_load %arg13[%get3A_186] {strides = array<i32>} : memref<128xf32, #tpu.memory_space<vmem>>, vector<16xf32>,
    %get3A_188 = vector.shape_cast %get3A_187 : vector<16xf32> to vector<16xf32>
    %mul3A_189 = arith.mulf %get3A_188, %convert_element_type3A_185 : vector<16xf32>
    %add3A_190 = arith.addf %add3A_180, %mul3A_189 : vector<16xf32>
    %add3A_191 = arith.addf %add3A_181, %convert_element_type3A_185 : vector<16xf32>
    %get3A_192 = arith.constant 96 : index
    %get3A_193 = tpu.vector_load %arg11[%get3A_192] {strides = array<i32>} : memref<128xi32, #tpu.memory_space<vmem>>, vector<16xi32>,
    %get3A_194 = vector.shape_cast %get3A_193 : vector<16xi32> to vector<16xi32>
    %convert_element_type3A_195 = arith.sitofp %get3A_194 : vector<16xi32> to vector<16xf32>
    %get3A_196 = arith.constant 96 : index
    %get3A_197 = tpu.vector_load %arg13[%get3A_196] {strides = array<i32>} : memref<128xf32, #tpu.memory_space<vmem>>, vector<16xf32>,
    %get3A_198 = vector.shape_cast %get3A_197 : vector<16xf32> to vector<16xf32>
    %mul3A_199 = arith.mulf %get3A_198, %convert_element_type3A_195 : vector<16xf32>
    %add3A_200 = arith.addf %add3A_190, %mul3A_199 : vector<16xf32>
    %add3A_201 = arith.addf %add3A_191, %convert_element_type3A_195 : vector<16xf32>
    %get3A_202 = arith.constant 112 : index
    %get3A_203 = tpu.vector_load %arg11[%get3A_202] {strides = array<i32>} : memref<128xi32, #tpu.memory_space<vmem>>, vector<16xi32>,
    %get3A_204 = vector.shape_cast %get3A_203 : vector<16xi32> to vector<16xi32>
    %convert_element_type3A_205 = arith.sitofp %get3A_204 : vector<16xi32> to vector<16xf32>
    %get3A_206 = arith.constant 112 : index
    %get3A_207 = tpu.vector_load %arg13[%get3A_206] {strides = array<i32>} : memref<128xf32, #tpu.memory_space<vmem>>, vector<16xf32>,
    %get3A_208 = vector.shape_cast %get3A_207 : vector<16xf32> to vector<16xf32>
    %mul3A_209 = arith.mulf %get3A_208, %convert_element_type3A_205 : vector<16xf32>
    %add3A_210 = arith.addf %add3A_200, %mul3A_209 : vector<16xf32>
    %add3A_211 = arith.addf %add3A_201, %convert_element_type3A_205 : vector<16xf32>
    %swap3A_212 = arith.constant 0 : index
    %swap3A_213 = tpu.vector_load %arg17[%swap3A_212] {strides = array<i32>} : memref<16xf32, #tpu.memory_space<vmem>>, vector<16xf32>,
    %swap3A_214 = vector.shape_cast %swap3A_213 : vector<16xf32> to vector<16xf32>
    %swap3A_215 = vector.shape_cast %add3A_210 : vector<16xf32> to vector<16xf32>
    tpu.vector_store %arg17[%swap3A_212], %swap3A_215 {strides = array<i32>} : memref<16xf32, #tpu.memory_space<vmem>>, vector<16xf32>,
    "tpu.region"() ({
      %run_scoped3A = tpu.sem_alloc : memref<!tpu.dma_semaphore, #tpu.memory_space<semaphore_mem>>
      %dma_start3A_245 = arith.constant 0 : i32
      %dma_start3A_246 = tpu.memref_slice %arg7[%add3A, %dma_start3A_245] : memref<32x16xf32, #tpu.memory_space<hbm>> -> memref<1x16xf32, #tpu.memory_space<hbm>>
      %dma_start3A_247 = tpu.memref_squeeze %dma_start3A_246 : memref<1x16xf32, #tpu.memory_space<hbm>> -> memref<16xf32, #tpu.memory_space<hbm>>
      %dma_start3A_248 = arith.constant 0 : i32
      %dma_start3A_249 = tpu.memref_slice %arg7[%add3A, %dma_start3A_248] : memref<32x16xf32, #tpu.memory_space<hbm>> -> memref<1x16xf32, #tpu.memory_space<hbm>>
      %dma_start3A_250 = tpu.memref_squeeze %dma_start3A_249 : memref<1x16xf32, #tpu.memory_space<hbm>> -> memref<16xf32, #tpu.memory_space<hbm>>
      tpu.enqueue_dma source(%arg17 : memref<16xf32, #tpu.memory_space<vmem>>) target(%dma_start3A_250 : memref<16xf32, #tpu.memory_space<hbm>>) target_semaphore(%run_scoped3A : memref<!tpu.dma_semaphore, #tpu.memory_space<semaphore_mem>>)
      %dma_wait3A_251 = arith.constant 0 : i32
      %dma_wait3A_252 = tpu.memref_slice %arg7[%add3A, %dma_wait3A_251] : memref<32x16xf32, #tpu.memory_space<hbm>> -> memref<1x16xf32, #tpu.memory_space<hbm>>
      %dma_wait3A_253 = tpu.memref_squeeze %dma_wait3A_252 : memref<1x16xf32, #tpu.memory_space<hbm>> -> memref<16xf32, #tpu.memory_space<hbm>>
      %dma_wait3A_254 = arith.constant 0 : i32
      %dma_wait3A_255 = tpu.memref_slice %arg7[%add3A, %dma_wait3A_254] : memref<32x16xf32, #tpu.memory_space<hbm>> -> memref<1x16xf32, #tpu.memory_space<hbm>>
      %dma_wait3A_256 = tpu.memref_squeeze %dma_wait3A_255 : memref<1x16xf32, #tpu.memory_space<hbm>> -> memref<16xf32, #tpu.memory_space<hbm>>
      tpu.wait_dma2 semaphore(%run_scoped3A : memref<!tpu.dma_semaphore, #tpu.memory_space<semaphore_mem>>) src(%arg17 : memref<16xf32, #tpu.memory_space<vmem>>) dst(%dma_wait3A_256 : memref<16xf32, #tpu.memory_space<hbm>>)
      tpu.yield
    }) : () -> ()
    %swap3A_216 = arith.constant 0 : index
    %swap3A_217 = tpu.vector_load %arg17[%swap3A_216] {strides = array<i32>} : memref<16xf32, #tpu.memory_space<vmem>>, vector<16xf32>,
    %swap3A_218 = vector.shape_cast %swap3A_217 : vector<16xf32> to vector<16xf32>
    %swap3A_219 = vector.shape_cast %add3A_211 : vector<16xf32> to vector<16xf32>
    tpu.vector_store %arg17[%swap3A_216], %swap3A_219 {strides = array<i32>} : memref<16xf32, #tpu.memory_space<vmem>>, vector<16xf32>,
    "tpu.region"() ({
      %run_scoped3A = tpu.sem_alloc : memref<!tpu.dma_semaphore, #tpu.memory_space<semaphore_mem>>
      %dma_start3A_245 = arith.constant 0 : i32
      %dma_start3A_246 = tpu.memref_slice %arg8[%add3A, %dma_start3A_245] : memref<32x16xf32, #tpu.memory_space<hbm>> -> memref<1x16xf32, #tpu.memory_space<hbm>>
      %dma_start3A_247 = tpu.memref_squeeze %dma_start3A_246 : memref<1x16xf32, #tpu.memory_space<hbm>> -> memref<16xf32, #tpu.memory_space<hbm>>
      %dma_start3A_248 = arith.constant 0 : i32
      %dma_start3A_249 = tpu.memref_slice %arg8[%add3A, %dma_start3A_248] : memref<32x16xf32, #tpu.memory_space<hbm>> -> memref<1x16xf32, #tpu.memory_space<hbm>>
      %dma_start3A_250 = tpu.memref_squeeze %dma_start3A_249 : memref<1x16xf32, #tpu.memory_space<hbm>> -> memref<16xf32, #tpu.memory_space<hbm>>
      tpu.enqueue_dma source(%arg17 : memref<16xf32, #tpu.memory_space<vmem>>) target(%dma_start3A_250 : memref<16xf32, #tpu.memory_space<hbm>>) target_semaphore(%run_scoped3A : memref<!tpu.dma_semaphore, #tpu.memory_space<semaphore_mem>>)
      %dma_wait3A_251 = arith.constant 0 : i32
      %dma_wait3A_252 = tpu.memref_slice %arg8[%add3A, %dma_wait3A_251] : memref<32x16xf32, #tpu.memory_space<hbm>> -> memref<1x16xf32, #tpu.memory_space<hbm>>
      %dma_wait3A_253 = tpu.memref_squeeze %dma_wait3A_252 : memref<1x16xf32, #tpu.memory_space<hbm>> -> memref<16xf32, #tpu.memory_space<hbm>>
      %dma_wait3A_254 = arith.constant 0 : i32
      %dma_wait3A_255 = tpu.memref_slice %arg8[%add3A, %dma_wait3A_254] : memref<32x16xf32, #tpu.memory_space<hbm>> -> memref<1x16xf32, #tpu.memory_space<hbm>>
      %dma_wait3A_256 = tpu.memref_squeeze %dma_wait3A_255 : memref<1x16xf32, #tpu.memory_space<hbm>> -> memref<16xf32, #tpu.memory_space<hbm>>
      tpu.wait_dma2 semaphore(%run_scoped3A : memref<!tpu.dma_semaphore, #tpu.memory_space<semaphore_mem>>) src(%arg17 : memref<16xf32, #tpu.memory_space<vmem>>) dst(%dma_wait3A_256 : memref<16xf32, #tpu.memory_space<hbm>>)
      tpu.yield
    }) : () -> ()
    %mul3A_220 = arith.constant 32 : i32
    %mul3A_221 = arith.muli %add3A, %mul3A_220 : i32
    %add3A_222 = arith.constant 3072 : i32
    %add3A_223 = arith.addi %add3A_222, %mul3A_221 : i32
    %mul3A_224 = arith.constant 32 : i32
    %mul3A_225 = arith.muli %add3A, %mul3A_224 : i32
    %mul3A_226 = arith.constant 16 : i32
    %mul3A_227 = arith.muli %mul3A_225, %mul3A_226 : i32
    "tpu.region"() ({
      %run_scoped3A = tpu.sem_alloc : memref<!tpu.dma_semaphore, #tpu.memory_space<semaphore_mem>>
      %dma_start3A_245 = tpu.memref_slice %arg6[%mul3A_227] : memref<16384xf32, #tpu.memory_space<hbm>> -> memref<512xf32, #tpu.memory_space<hbm>>
      %dma_start3A_246 = tpu.memref_slice %arg6[%mul3A_227] : memref<16384xf32, #tpu.memory_space<hbm>> -> memref<512xf32, #tpu.memory_space<hbm>>
      tpu.enqueue_dma source(%dma_start3A_246 : memref<512xf32, #tpu.memory_space<hbm>>) target(%arg14 : memref<512xf32, #tpu.memory_space<vmem>>) target_semaphore(%run_scoped3A : memref<!tpu.dma_semaphore, #tpu.memory_space<semaphore_mem>>)
      %dma_wait3A_247 = tpu.memref_slice %arg6[%mul3A_227] : memref<16384xf32, #tpu.memory_space<hbm>> -> memref<512xf32, #tpu.memory_space<hbm>>
      %dma_wait3A_248 = tpu.memref_slice %arg6[%mul3A_227] : memref<16384xf32, #tpu.memory_space<hbm>> -> memref<512xf32, #tpu.memory_space<hbm>>
      tpu.wait_dma2 semaphore(%run_scoped3A : memref<!tpu.dma_semaphore, #tpu.memory_space<semaphore_mem>>) src(%dma_wait3A_248 : memref<512xf32, #tpu.memory_space<hbm>>) dst(%arg14 : memref<512xf32, #tpu.memory_space<vmem>>)
      tpu.yield
    }) : () -> ()
    %dma_start3A_228 = arith.constant 0 : i32
    %dma_start3A_229 = tpu.memref_slice %arg3[%add3A_223, %dma_start3A_228] : memref<4096x32000xf32, #tpu.memory_space<hbm>> -> memref<1x32000xf32, #tpu.memory_space<hbm>>
    %dma_start3A_230 = tpu.memref_squeeze %dma_start3A_229 : memref<1x32000xf32, #tpu.memory_space<hbm>> -> memref<32000xf32, #tpu.memory_space<hbm>>
    %dma_start3A_231 = arith.constant 0 : i32
    %dma_start3A_232 = tpu.memref_slice %arg3[%add3A_223, %dma_start3A_231] : memref<4096x32000xf32, #tpu.memory_space<hbm>> -> memref<1x32000xf32, #tpu.memory_space<hbm>>
    %dma_start3A_233 = tpu.memref_squeeze %dma_start3A_232 : memref<1x32000xf32, #tpu.memory_space<hbm>> -> memref<32000xf32, #tpu.memory_space<hbm>>
    tpu.enqueue_dma source(%dma_start3A_233 : memref<32000xf32, #tpu.memory_space<hbm>>) target(%arg15 : memref<32000xf32, #tpu.memory_space<vmem>>) target_semaphore(%arg19 : memref<!tpu.dma_semaphore, #tpu.memory_space<semaphore_mem>>)
    %broadcast_in_dim3A_234 = arith.constant 0.000000e+00 : f32
    %broadcast_in_dim3A_235 = vector.broadcast %broadcast_in_dim3A_234 : f32 to vector<16xf32>
    %scan3A = arith.constant 0 : i32
    %scan3A_236 = arith.constant 16 : i32
    %scan3A_237 = arith.addi %scan3A, %scan3A_236 : i32
    %scan3A_238 = arith.constant 1 : i32
    %scan3A_239 = scf.for %scan3A_245 = %scan3A to %scan3A_237 step %scan3A_238 iter_args(%scan3A_246 = %broadcast_in_dim3A_235) -> (vector<16xf32>)  : i32 {
      %mul3A_247 = arith.constant 2 : i32
      %mul3A_248 = arith.muli %mul3A_247, %scan3A_245 : i32
      %add3A_249 = arith.addi %add3A_223, %mul3A_248 : i32
      %dma_wait3A_250 = arith.constant 0 : i32
      %dma_wait3A_251 = tpu.memref_slice %arg3[%add3A_249, %dma_wait3A_250] : memref<4096x32000xf32, #tpu.memory_space<hbm>> -> memref<1x32000xf32, #tpu.memory_space<hbm>>
      %dma_wait3A_252 = tpu.memref_squeeze %dma_wait3A_251 : memref<1x32000xf32, #tpu.memory_space<hbm>> -> memref<32000xf32, #tpu.memory_space<hbm>>
      %dma_wait3A_253 = arith.constant 0 : i32
      %dma_wait3A_254 = tpu.memref_slice %arg3[%add3A_249, %dma_wait3A_253] : memref<4096x32000xf32, #tpu.memory_space<hbm>> -> memref<1x32000xf32, #tpu.memory_space<hbm>>
      %dma_wait3A_255 = tpu.memref_squeeze %dma_wait3A_254 : memref<1x32000xf32, #tpu.memory_space<hbm>> -> memref<32000xf32, #tpu.memory_space<hbm>>
      tpu.wait_dma2 semaphore(%arg19 : memref<!tpu.dma_semaphore, #tpu.memory_space<semaphore_mem>>) src(%dma_wait3A_255 : memref<32000xf32, #tpu.memory_space<hbm>>) dst(%arg15 : memref<32000xf32, #tpu.memory_space<vmem>>)
      %add3A_256 = arith.constant 1 : i32
      %add3A_257 = arith.addi %add3A_249, %add3A_256 : i32
      %dma_start3A_258 = arith.constant 0 : i32
      %dma_start3A_259 = tpu.memref_slice %arg3[%add3A_257, %dma_start3A_258] : memref<4096x32000xf32, #tpu.memory_space<hbm>> -> memref<1x32000xf32, #tpu.memory_space<hbm>>
      %dma_start3A_260 = tpu.memref_squeeze %dma_start3A_259 : memref<1x32000xf32, #tpu.memory_space<hbm>> -> memref<32000xf32, #tpu.memory_space<hbm>>
      %dma_start3A_261 = arith.constant 0 : i32
      %dma_start3A_262 = tpu.memref_slice %arg3[%add3A_257, %dma_start3A_261] : memref<4096x32000xf32, #tpu.memory_space<hbm>> -> memref<1x32000xf32, #tpu.memory_space<hbm>>
      %dma_start3A_263 = tpu.memref_squeeze %dma_start3A_262 : memref<1x32000xf32, #tpu.memory_space<hbm>> -> memref<32000xf32, #tpu.memory_space<hbm>>
      tpu.enqueue_dma source(%dma_start3A_263 : memref<32000xf32, #tpu.memory_space<hbm>>) target(%arg16 : memref<32000xf32, #tpu.memory_space<vmem>>) target_semaphore(%arg20 : memref<!tpu.dma_semaphore, #tpu.memory_space<semaphore_mem>>)
      %broadcast_in_dim3A_264 = arith.constant 0.000000e+00 : f32
      %broadcast_in_dim3A_265 = vector.broadcast %broadcast_in_dim3A_264 : f32 to vector<16xf32>
      %scan3A_266 = arith.constant 0 : i32
      %scan3A_267 = arith.constant 100 : i32
      %scan3A_268 = arith.addi %scan3A_266, %scan3A_267 : i32
      %scan3A_269 = arith.constant 1 : i32
      %scan3A_270 = scf.for %scan3A_313 = %scan3A_266 to %scan3A_268 step %scan3A_269 iter_args(%scan3A_314 = %broadcast_in_dim3A_265) -> (vector<16xf32>)  : i32 {
        %mul3A_315 = arith.constant 320 : i32
        %mul3A_316 = arith.muli %scan3A_313, %mul3A_315 : i32
        %add3A_317 = arith.constant 0 : i32
        %add3A_318 = arith.addi %mul3A_316, %add3A_317 : i32
        %get3A_319 = arith.index_cast %add3A_318 : i32 to index
        %get3A_320 = tpu.vector_load %arg15[%get3A_319] {strides = array<i32>} : memref<32000xf32, #tpu.memory_space<vmem>>, vector<16xf32>,
        %get3A_321 = vector.shape_cast %get3A_320 : vector<16xf32> to vector<16xf32>
        %add3A_322 = arith.constant 16 : i32
        %add3A_323 = arith.addi %mul3A_316, %add3A_322 : i32
        %get3A_324 = arith.index_cast %add3A_323 : i32 to index
        %get3A_325 = tpu.vector_load %arg15[%get3A_324] {strides = array<i32>} : memref<32000xf32, #tpu.memory_space<vmem>>, vector<16xf32>,
        %get3A_326 = vector.shape_cast %get3A_325 : vector<16xf32> to vector<16xf32>
        %add3A_327 = arith.constant 32 : i32
        %add3A_328 = arith.addi %mul3A_316, %add3A_327 : i32
        %get3A_329 = arith.index_cast %add3A_328 : i32 to index
        %get3A_330 = tpu.vector_load %arg15[%get3A_329] {strides = array<i32>} : memref<32000xf32, #tpu.memory_space<vmem>>, vector<16xf32>,
        %get3A_331 = vector.shape_cast %get3A_330 : vector<16xf32> to vector<16xf32>
        %add3A_332 = arith.constant 48 : i32
        %add3A_333 = arith.addi %mul3A_316, %add3A_332 : i32
        %get3A_334 = arith.index_cast %add3A_333 : i32 to index
        %get3A_335 = tpu.vector_load %arg15[%get3A_334] {strides = array<i32>} : memref<32000xf32, #tpu.memory_space<vmem>>, vector<16xf32>,
        %get3A_336 = vector.shape_cast %get3A_335 : vector<16xf32> to vector<16xf32>
        %add3A_337 = arith.constant 64 : i32
        %add3A_338 = arith.addi %mul3A_316, %add3A_337 : i32
        %get3A_339 = arith.index_cast %add3A_338 : i32 to index
        %get3A_340 = tpu.vector_load %arg15[%get3A_339] {strides = array<i32>} : memref<32000xf32, #tpu.memory_space<vmem>>, vector<16xf32>,
        %get3A_341 = vector.shape_cast %get3A_340 : vector<16xf32> to vector<16xf32>
        %add3A_342 = arith.constant 80 : i32
        %add3A_343 = arith.addi %mul3A_316, %add3A_342 : i32
        %get3A_344 = arith.index_cast %add3A_343 : i32 to index
        %get3A_345 = tpu.vector_load %arg15[%get3A_344] {strides = array<i32>} : memref<32000xf32, #tpu.memory_space<vmem>>, vector<16xf32>,
        %get3A_346 = vector.shape_cast %get3A_345 : vector<16xf32> to vector<16xf32>
        %add3A_347 = arith.constant 96 : i32
        %add3A_348 = arith.addi %mul3A_316, %add3A_347 : i32
        %get3A_349 = arith.index_cast %add3A_348 : i32 to index
        %get3A_350 = tpu.vector_load %arg15[%get3A_349] {strides = array<i32>} : memref<32000xf32, #tpu.memory_space<vmem>>, vector<16xf32>,
        %get3A_351 = vector.shape_cast %get3A_350 : vector<16xf32> to vector<16xf32>
        %add3A_352 = arith.constant 112 : i32
        %add3A_353 = arith.addi %mul3A_316, %add3A_352 : i32
        %get3A_354 = arith.index_cast %add3A_353 : i32 to index
        %get3A_355 = tpu.vector_load %arg15[%get3A_354] {strides = array<i32>} : memref<32000xf32, #tpu.memory_space<vmem>>, vector<16xf32>,
        %get3A_356 = vector.shape_cast %get3A_355 : vector<16xf32> to vector<16xf32>
        %add3A_357 = arith.constant 128 : i32
        %add3A_358 = arith.addi %mul3A_316, %add3A_357 : i32
        %get3A_359 = arith.index_cast %add3A_358 : i32 to index
        %get3A_360 = tpu.vector_load %arg15[%get3A_359] {strides = array<i32>} : memref<32000xf32, #tpu.memory_space<vmem>>, vector<16xf32>,
        %get3A_361 = vector.shape_cast %get3A_360 : vector<16xf32> to vector<16xf32>
        %add3A_362 = arith.constant 144 : i32
        %add3A_363 = arith.addi %mul3A_316, %add3A_362 : i32
        %get3A_364 = arith.index_cast %add3A_363 : i32 to index
        %get3A_365 = tpu.vector_load %arg15[%get3A_364] {strides = array<i32>} : memref<32000xf32, #tpu.memory_space<vmem>>, vector<16xf32>,
        %get3A_366 = vector.shape_cast %get3A_365 : vector<16xf32> to vector<16xf32>
        %add3A_367 = arith.constant 160 : i32
        %add3A_368 = arith.addi %mul3A_316, %add3A_367 : i32
        %get3A_369 = arith.index_cast %add3A_368 : i32 to index
        %get3A_370 = tpu.vector_load %arg15[%get3A_369] {strides = array<i32>} : memref<32000xf32, #tpu.memory_space<vmem>>, vector<16xf32>,
        %get3A_371 = vector.shape_cast %get3A_370 : vector<16xf32> to vector<16xf32>
        %add3A_372 = arith.constant 176 : i32
        %add3A_373 = arith.addi %mul3A_316, %add3A_372 : i32
        %get3A_374 = arith.index_cast %add3A_373 : i32 to index
        %get3A_375 = tpu.vector_load %arg15[%get3A_374] {strides = array<i32>} : memref<32000xf32, #tpu.memory_space<vmem>>, vector<16xf32>,
        %get3A_376 = vector.shape_cast %get3A_375 : vector<16xf32> to vector<16xf32>
        %add3A_377 = arith.constant 192 : i32
        %add3A_378 = arith.addi %mul3A_316, %add3A_377 : i32
        %get3A_379 = arith.index_cast %add3A_378 : i32 to index
        %get3A_380 = tpu.vector_load %arg15[%get3A_379] {strides = array<i32>} : memref<32000xf32, #tpu.memory_space<vmem>>, vector<16xf32>,
        %get3A_381 = vector.shape_cast %get3A_380 : vector<16xf32> to vector<16xf32>
        %add3A_382 = arith.constant 208 : i32
        %add3A_383 = arith.addi %mul3A_316, %add3A_382 : i32
        %get3A_384 = arith.index_cast %add3A_383 : i32 to index
        %get3A_385 = tpu.vector_load %arg15[%get3A_384] {strides = array<i32>} : memref<32000xf32, #tpu.memory_space<vmem>>, vector<16xf32>,
        %get3A_386 = vector.shape_cast %get3A_385 : vector<16xf32> to vector<16xf32>
        %add3A_387 = arith.constant 224 : i32
        %add3A_388 = arith.addi %mul3A_316, %add3A_387 : i32
        %get3A_389 = arith.index_cast %add3A_388 : i32 to index
        %get3A_390 = tpu.vector_load %arg15[%get3A_389] {strides = array<i32>} : memref<32000xf32, #tpu.memory_space<vmem>>, vector<16xf32>,
        %get3A_391 = vector.shape_cast %get3A_390 : vector<16xf32> to vector<16xf32>
        %add3A_392 = arith.constant 240 : i32
        %add3A_393 = arith.addi %mul3A_316, %add3A_392 : i32
        %get3A_394 = arith.index_cast %add3A_393 : i32 to index
        %get3A_395 = tpu.vector_load %arg15[%get3A_394] {strides = array<i32>} : memref<32000xf32, #tpu.memory_space<vmem>>, vector<16xf32>,
        %get3A_396 = vector.shape_cast %get3A_395 : vector<16xf32> to vector<16xf32>
        %add3A_397 = arith.constant 256 : i32
        %add3A_398 = arith.addi %mul3A_316, %add3A_397 : i32
        %get3A_399 = arith.index_cast %add3A_398 : i32 to index
        %get3A_400 = tpu.vector_load %arg15[%get3A_399] {strides = array<i32>} : memref<32000xf32, #tpu.memory_space<vmem>>, vector<16xf32>,
        %get3A_401 = vector.shape_cast %get3A_400 : vector<16xf32> to vector<16xf32>
        %add3A_402 = arith.constant 272 : i32
        %add3A_403 = arith.addi %mul3A_316, %add3A_402 : i32
        %get3A_404 = arith.index_cast %add3A_403 : i32 to index
        %get3A_405 = tpu.vector_load %arg15[%get3A_404] {strides = array<i32>} : memref<32000xf32, #tpu.memory_space<vmem>>, vector<16xf32>,
        %get3A_406 = vector.shape_cast %get3A_405 : vector<16xf32> to vector<16xf32>
        %add3A_407 = arith.constant 288 : i32
        %add3A_408 = arith.addi %mul3A_316, %add3A_407 : i32
        %get3A_409 = arith.index_cast %add3A_408 : i32 to index
        %get3A_410 = tpu.vector_load %arg15[%get3A_409] {strides = array<i32>} : memref<32000xf32, #tpu.memory_space<vmem>>, vector<16xf32>,
        %get3A_411 = vector.shape_cast %get3A_410 : vector<16xf32> to vector<16xf32>
        %add3A_412 = arith.constant 304 : i32
        %add3A_413 = arith.addi %mul3A_316, %add3A_412 : i32
        %get3A_414 = arith.index_cast %add3A_413 : i32 to index
        %get3A_415 = tpu.vector_load %arg15[%get3A_414] {strides = array<i32>} : memref<32000xf32, #tpu.memory_space<vmem>>, vector<16xf32>,
        %get3A_416 = vector.shape_cast %get3A_415 : vector<16xf32> to vector<16xf32>
        %add3A_417 = arith.addf %get3A_321, %get3A_326 : vector<16xf32>
        %add3A_418 = arith.addf %get3A_331, %get3A_336 : vector<16xf32>
        %add3A_419 = arith.addf %get3A_341, %get3A_346 : vector<16xf32>
        %add3A_420 = arith.addf %get3A_351, %get3A_356 : vector<16xf32>
        %add3A_421 = arith.addf %get3A_361, %get3A_366 : vector<16xf32>
        %add3A_422 = arith.addf %get3A_371, %get3A_376 : vector<16xf32>
        %add3A_423 = arith.addf %get3A_381, %get3A_386 : vector<16xf32>
        %add3A_424 = arith.addf %get3A_391, %get3A_396 : vector<16xf32>
        %add3A_425 = arith.addf %get3A_401, %get3A_406 : vector<16xf32>
        %add3A_426 = arith.addf %get3A_411, %get3A_416 : vector<16xf32>
        %add3A_427 = arith.addf %add3A_417, %add3A_418 : vector<16xf32>
        %add3A_428 = arith.addf %add3A_419, %add3A_420 : vector<16xf32>
        %add3A_429 = arith.addf %add3A_421, %add3A_422 : vector<16xf32>
        %add3A_430 = arith.addf %add3A_423, %add3A_424 : vector<16xf32>
        %add3A_431 = arith.addf %add3A_425, %add3A_426 : vector<16xf32>
        %add3A_432 = arith.addf %add3A_427, %add3A_428 : vector<16xf32>
        %add3A_433 = arith.addf %add3A_429, %add3A_430 : vector<16xf32>
        %add3A_434 = arith.addf %add3A_432, %add3A_433 : vector<16xf32>
        %add3A_435 = arith.addf %add3A_434, %add3A_431 : vector<16xf32>
        %add3A_436 = arith.addf %scan3A_314, %add3A_435 : vector<16xf32>
        scf.yield %add3A_436 : vector<16xf32>
      }
      %scan3A_271 = arith.constant 100 : i32
      %mul3A_272 = arith.constant 2 : i32
      %mul3A_273 = arith.muli %mul3A_272, %scan3A_245 : i32
      %mul3A_274 = arith.constant 16 : i32
      %mul3A_275 = arith.muli %mul3A_273, %mul3A_274 : i32
      %get3A_276 = arith.index_cast %mul3A_275 : i32 to index
      %get3A_277 = tpu.vector_load %arg14[%get3A_276] {strides = array<i32>} : memref<512xf32, #tpu.memory_space<vmem>>, vector<16xf32>,
      %get3A_278 = vector.shape_cast %get3A_277 : vector<16xf32> to vector<16xf32>
      %mul3A_279 = arith.mulf %scan3A_270, %get3A_278 : vector<16xf32>
      %add3A_280 = arith.addf %scan3A_246, %mul3A_279 : vector<16xf32>
      %add3A_281 = arith.constant 1 : i32
      %add3A_282 = arith.addi %add3A_249, %add3A_281 : i32
      %dma_wait3A_283 = arith.constant 0 : i32
      %dma_wait3A_284 = tpu.memref_slice %arg3[%add3A_282, %dma_wait3A_283] : memref<4096x32000xf32, #tpu.memory_space<hbm>> -> memref<1x32000xf32, #tpu.memory_space<hbm>>
      %dma_wait3A_285 = tpu.memref_squeeze %dma_wait3A_284 : memref<1x32000xf32, #tpu.memory_space<hbm>> -> memref<32000xf32, #tpu.memory_space<hbm>>
      %dma_wait3A_286 = arith.constant 0 : i32
      %dma_wait3A_287 = tpu.memref_slice %arg3[%add3A_282, %dma_wait3A_286] : memref<4096x32000xf32, #tpu.memory_space<hbm>> -> memref<1x32000xf32, #tpu.memory_space<hbm>>
      %dma_wait3A_288 = tpu.memref_squeeze %dma_wait3A_287 : memref<1x32000xf32, #tpu.memory_space<hbm>> -> memref<32000xf32, #tpu.memory_space<hbm>>
      tpu.wait_dma2 semaphore(%arg20 : memref<!tpu.dma_semaphore, #tpu.memory_space<semaphore_mem>>) src(%dma_wait3A_288 : memref<32000xf32, #tpu.memory_space<hbm>>) dst(%arg16 : memref<32000xf32, #tpu.memory_space<vmem>>)
      %add3A_289 = arith.constant 1 : i32
      %add3A_290 = arith.addi %scan3A_245, %add3A_289 : i32
      %lt3A = arith.constant 16 : i32
      %lt3A_291 = arith.cmpi slt, %add3A_290, %lt3A : i32
      %convert_element_type3A_292 = arith.extui %lt3A_291 : i1 to i32
      %cond3A = arith.constant 0 : i32
      %cond3A_293 = arith.cmpi ne, %convert_element_type3A_292, %cond3A : i32
      scf.if %cond3A_293 {
        %add3A_313 = arith.constant 2 : i32
        %add3A_314 = arith.addi %add3A_249, %add3A_313 : i32
        %dma_start3A_315 = arith.constant 0 : i32
        %dma_start3A_316 = tpu.memref_slice %arg3[%add3A_314, %dma_start3A_315] : memref<4096x32000xf32, #tpu.memory_space<hbm>> -> memref<1x32000xf32, #tpu.memory_space<hbm>>
        %dma_start3A_317 = tpu.memref_squeeze %dma_start3A_316 : memref<1x32000xf32, #tpu.memory_space<hbm>> -> memref<32000xf32, #tpu.memory_space<hbm>>
        %dma_start3A_318 = arith.constant 0 : i32
        %dma_start3A_319 = tpu.memref_slice %arg3[%add3A_314, %dma_start3A_318] : memref<4096x32000xf32, #tpu.memory_space<hbm>> -> memref<1x32000xf32, #tpu.memory_space<hbm>>
        %dma_start3A_320 = tpu.memref_squeeze %dma_start3A_319 : memref<1x32000xf32, #tpu.memory_space<hbm>> -> memref<32000xf32, #tpu.memory_space<hbm>>
        tpu.enqueue_dma source(%dma_start3A_320 : memref<32000xf32, #tpu.memory_space<hbm>>) target(%arg15 : memref<32000xf32, #tpu.memory_space<vmem>>) target_semaphore(%arg19 : memref<!tpu.dma_semaphore, #tpu.memory_space<semaphore_mem>>)
      } else {
      }
      %broadcast_in_dim3A_294 = arith.constant 0.000000e+00 : f32
      %broadcast_in_dim3A_295 = vector.broadcast %broadcast_in_dim3A_294 : f32 to vector<16xf32>
      %scan3A_296 = arith.constant 0 : i32
      %scan3A_297 = arith.constant 100 : i32
      %scan3A_298 = arith.addi %scan3A_296, %scan3A_297 : i32
      %scan3A_299 = arith.constant 1 : i32
      %scan3A_300 = scf.for %scan3A_313 = %scan3A_296 to %scan3A_298 step %scan3A_299 iter_args(%scan3A_314 = %broadcast_in_dim3A_295) -> (vector<16xf32>)  : i32 {
        %mul3A_315 = arith.constant 320 : i32
        %mul3A_316 = arith.muli %scan3A_313, %mul3A_315 : i32
        %add3A_317 = arith.constant 0 : i32
        %add3A_318 = arith.addi %mul3A_316, %add3A_317 : i32
        %get3A_319 = arith.index_cast %add3A_318 : i32 to index
        %get3A_320 = tpu.vector_load %arg16[%get3A_319] {strides = array<i32>} : memref<32000xf32, #tpu.memory_space<vmem>>, vector<16xf32>,
        %get3A_321 = vector.shape_cast %get3A_320 : vector<16xf32> to vector<16xf32>
        %add3A_322 = arith.constant 16 : i32
        %add3A_323 = arith.addi %mul3A_316, %add3A_322 : i32
        %get3A_324 = arith.index_cast %add3A_323 : i32 to index
        %get3A_325 = tpu.vector_load %arg16[%get3A_324] {strides = array<i32>} : memref<32000xf32, #tpu.memory_space<vmem>>, vector<16xf32>,
        %get3A_326 = vector.shape_cast %get3A_325 : vector<16xf32> to vector<16xf32>
        %add3A_327 = arith.constant 32 : i32
        %add3A_328 = arith.addi %mul3A_316, %add3A_327 : i32
        %get3A_329 = arith.index_cast %add3A_328 : i32 to index
        %get3A_330 = tpu.vector_load %arg16[%get3A_329] {strides = array<i32>} : memref<32000xf32, #tpu.memory_space<vmem>>, vector<16xf32>,
        %get3A_331 = vector.shape_cast %get3A_330 : vector<16xf32> to vector<16xf32>
        %add3A_332 = arith.constant 48 : i32
        %add3A_333 = arith.addi %mul3A_316, %add3A_332 : i32
        %get3A_334 = arith.index_cast %add3A_333 : i32 to index
        %get3A_335 = tpu.vector_load %arg16[%get3A_334] {strides = array<i32>} : memref<32000xf32, #tpu.memory_space<vmem>>, vector<16xf32>,
        %get3A_336 = vector.shape_cast %get3A_335 : vector<16xf32> to vector<16xf32>
        %add3A_337 = arith.constant 64 : i32
        %add3A_338 = arith.addi %mul3A_316, %add3A_337 : i32
        %get3A_339 = arith.index_cast %add3A_338 : i32 to index
        %get3A_340 = tpu.vector_load %arg16[%get3A_339] {strides = array<i32>} : memref<32000xf32, #tpu.memory_space<vmem>>, vector<16xf32>,
        %get3A_341 = vector.shape_cast %get3A_340 : vector<16xf32> to vector<16xf32>
        %add3A_342 = arith.constant 80 : i32
        %add3A_343 = arith.addi %mul3A_316, %add3A_342 : i32
        %get3A_344 = arith.index_cast %add3A_343 : i32 to index
        %get3A_345 = tpu.vector_load %arg16[%get3A_344] {strides = array<i32>} : memref<32000xf32, #tpu.memory_space<vmem>>, vector<16xf32>,
        %get3A_346 = vector.shape_cast %get3A_345 : vector<16xf32> to vector<16xf32>
        %add3A_347 = arith.constant 96 : i32
        %add3A_348 = arith.addi %mul3A_316, %add3A_347 : i32
        %get3A_349 = arith.index_cast %add3A_348 : i32 to index
        %get3A_350 = tpu.vector_load %arg16[%get3A_349] {strides = array<i32>} : memref<32000xf32, #tpu.memory_space<vmem>>, vector<16xf32>,
        %get3A_351 = vector.shape_cast %get3A_350 : vector<16xf32> to vector<16xf32>
        %add3A_352 = arith.constant 112 : i32
        %add3A_353 = arith.addi %mul3A_316, %add3A_352 : i32
        %get3A_354 = arith.index_cast %add3A_353 : i32 to index
        %get3A_355 = tpu.vector_load %arg16[%get3A_354] {strides = array<i32>} : memref<32000xf32, #tpu.memory_space<vmem>>, vector<16xf32>,
        %get3A_356 = vector.shape_cast %get3A_355 : vector<16xf32> to vector<16xf32>
        %add3A_357 = arith.constant 128 : i32
        %add3A_358 = arith.addi %mul3A_316, %add3A_357 : i32
        %get3A_359 = arith.index_cast %add3A_358 : i32 to index
        %get3A_360 = tpu.vector_load %arg16[%get3A_359] {strides = array<i32>} : memref<32000xf32, #tpu.memory_space<vmem>>, vector<16xf32>,
        %get3A_361 = vector.shape_cast %get3A_360 : vector<16xf32> to vector<16xf32>
        %add3A_362 = arith.constant 144 : i32
        %add3A_363 = arith.addi %mul3A_316, %add3A_362 : i32
        %get3A_364 = arith.index_cast %add3A_363 : i32 to index
        %get3A_365 = tpu.vector_load %arg16[%get3A_364] {strides = array<i32>} : memref<32000xf32, #tpu.memory_space<vmem>>, vector<16xf32>,
        %get3A_366 = vector.shape_cast %get3A_365 : vector<16xf32> to vector<16xf32>
        %add3A_367 = arith.constant 160 : i32
        %add3A_368 = arith.addi %mul3A_316, %add3A_367 : i32
        %get3A_369 = arith.index_cast %add3A_368 : i32 to index
        %get3A_370 = tpu.vector_load %arg16[%get3A_369] {strides = array<i32>} : memref<32000xf32, #tpu.memory_space<vmem>>, vector<16xf32>,
        %get3A_371 = vector.shape_cast %get3A_370 : vector<16xf32> to vector<16xf32>
        %add3A_372 = arith.constant 176 : i32
        %add3A_373 = arith.addi %mul3A_316, %add3A_372 : i32
        %get3A_374 = arith.index_cast %add3A_373 : i32 to index
        %get3A_375 = tpu.vector_load %arg16[%get3A_374] {strides = array<i32>} : memref<32000xf32, #tpu.memory_space<vmem>>, vector<16xf32>,
        %get3A_376 = vector.shape_cast %get3A_375 : vector<16xf32> to vector<16xf32>
        %add3A_377 = arith.constant 192 : i32
        %add3A_378 = arith.addi %mul3A_316, %add3A_377 : i32
        %get3A_379 = arith.index_cast %add3A_378 : i32 to index
        %get3A_380 = tpu.vector_load %arg16[%get3A_379] {strides = array<i32>} : memref<32000xf32, #tpu.memory_space<vmem>>, vector<16xf32>,
        %get3A_381 = vector.shape_cast %get3A_380 : vector<16xf32> to vector<16xf32>
        %add3A_382 = arith.constant 208 : i32
        %add3A_383 = arith.addi %mul3A_316, %add3A_382 : i32
        %get3A_384 = arith.index_cast %add3A_383 : i32 to index
        %get3A_385 = tpu.vector_load %arg16[%get3A_384] {strides = array<i32>} : memref<32000xf32, #tpu.memory_space<vmem>>, vector<16xf32>,
        %get3A_386 = vector.shape_cast %get3A_385 : vector<16xf32> to vector<16xf32>
        %add3A_387 = arith.constant 224 : i32
        %add3A_388 = arith.addi %mul3A_316, %add3A_387 : i32
        %get3A_389 = arith.index_cast %add3A_388 : i32 to index
        %get3A_390 = tpu.vector_load %arg16[%get3A_389] {strides = array<i32>} : memref<32000xf32, #tpu.memory_space<vmem>>, vector<16xf32>,
        %get3A_391 = vector.shape_cast %get3A_390 : vector<16xf32> to vector<16xf32>
        %add3A_392 = arith.constant 240 : i32
        %add3A_393 = arith.addi %mul3A_316, %add3A_392 : i32
        %get3A_394 = arith.index_cast %add3A_393 : i32 to index
        %get3A_395 = tpu.vector_load %arg16[%get3A_394] {strides = array<i32>} : memref<32000xf32, #tpu.memory_space<vmem>>, vector<16xf32>,
        %get3A_396 = vector.shape_cast %get3A_395 : vector<16xf32> to vector<16xf32>
        %add3A_397 = arith.constant 256 : i32
        %add3A_398 = arith.addi %mul3A_316, %add3A_397 : i32
        %get3A_399 = arith.index_cast %add3A_398 : i32 to index
        %get3A_400 = tpu.vector_load %arg16[%get3A_399] {strides = array<i32>} : memref<32000xf32, #tpu.memory_space<vmem>>, vector<16xf32>,
        %get3A_401 = vector.shape_cast %get3A_400 : vector<16xf32> to vector<16xf32>
        %add3A_402 = arith.constant 272 : i32
        %add3A_403 = arith.addi %mul3A_316, %add3A_402 : i32
        %get3A_404 = arith.index_cast %add3A_403 : i32 to index
        %get3A_405 = tpu.vector_load %arg16[%get3A_404] {strides = array<i32>} : memref<32000xf32, #tpu.memory_space<vmem>>, vector<16xf32>,
        %get3A_406 = vector.shape_cast %get3A_405 : vector<16xf32> to vector<16xf32>
        %add3A_407 = arith.constant 288 : i32
        %add3A_408 = arith.addi %mul3A_316, %add3A_407 : i32
        %get3A_409 = arith.index_cast %add3A_408 : i32 to index
        %get3A_410 = tpu.vector_load %arg16[%get3A_409] {strides = array<i32>} : memref<32000xf32, #tpu.memory_space<vmem>>, vector<16xf32>,
        %get3A_411 = vector.shape_cast %get3A_410 : vector<16xf32> to vector<16xf32>
        %add3A_412 = arith.constant 304 : i32
        %add3A_413 = arith.addi %mul3A_316, %add3A_412 : i32
        %get3A_414 = arith.index_cast %add3A_413 : i32 to index
        %get3A_415 = tpu.vector_load %arg16[%get3A_414] {strides = array<i32>} : memref<32000xf32, #tpu.memory_space<vmem>>, vector<16xf32>,
        %get3A_416 = vector.shape_cast %get3A_415 : vector<16xf32> to vector<16xf32>
        %add3A_417 = arith.addf %get3A_321, %get3A_326 : vector<16xf32>
        %add3A_418 = arith.addf %get3A_331, %get3A_336 : vector<16xf32>
        %add3A_419 = arith.addf %get3A_341, %get3A_346 : vector<16xf32>
        %add3A_420 = arith.addf %get3A_351, %get3A_356 : vector<16xf32>
        %add3A_421 = arith.addf %get3A_361, %get3A_366 : vector<16xf32>
        %add3A_422 = arith.addf %get3A_371, %get3A_376 : vector<16xf32>
        %add3A_423 = arith.addf %get3A_381, %get3A_386 : vector<16xf32>
        %add3A_424 = arith.addf %get3A_391, %get3A_396 : vector<16xf32>
        %add3A_425 = arith.addf %get3A_401, %get3A_406 : vector<16xf32>
        %add3A_426 = arith.addf %get3A_411, %get3A_416 : vector<16xf32>
        %add3A_427 = arith.addf %add3A_417, %add3A_418 : vector<16xf32>
        %add3A_428 = arith.addf %add3A_419, %add3A_420 : vector<16xf32>
        %add3A_429 = arith.addf %add3A_421, %add3A_422 : vector<16xf32>
        %add3A_430 = arith.addf %add3A_423, %add3A_424 : vector<16xf32>
        %add3A_431 = arith.addf %add3A_425, %add3A_426 : vector<16xf32>
        %add3A_432 = arith.addf %add3A_427, %add3A_428 : vector<16xf32>
        %add3A_433 = arith.addf %add3A_429, %add3A_430 : vector<16xf32>
        %add3A_434 = arith.addf %add3A_432, %add3A_433 : vector<16xf32>
        %add3A_435 = arith.addf %add3A_434, %add3A_431 : vector<16xf32>
        %add3A_436 = arith.addf %scan3A_314, %add3A_435 : vector<16xf32>
        scf.yield %add3A_436 : vector<16xf32>
      }
      %scan3A_301 = arith.constant 100 : i32
      %mul3A_302 = arith.constant 2 : i32
      %mul3A_303 = arith.muli %mul3A_302, %scan3A_245 : i32
      %add3A_304 = arith.constant 1 : i32
      %add3A_305 = arith.addi %mul3A_303, %add3A_304 : i32
      %mul3A_306 = arith.constant 16 : i32
      %mul3A_307 = arith.muli %add3A_305, %mul3A_306 : i32
      %get3A_308 = arith.index_cast %mul3A_307 : i32 to index
      %get3A_309 = tpu.vector_load %arg14[%get3A_308] {strides = array<i32>} : memref<512xf32, #tpu.memory_space<vmem>>, vector<16xf32>,
      %get3A_310 = vector.shape_cast %get3A_309 : vector<16xf32> to vector<16xf32>
      %mul3A_311 = arith.mulf %scan3A_300, %get3A_310 : vector<16xf32>
      %add3A_312 = arith.addf %add3A_280, %mul3A_311 : vector<16xf32>
      scf.yield %add3A_312 : vector<16xf32>
    }
    %scan3A_240 = arith.constant 16 : i32
    %swap3A_241 = arith.constant 0 : index
    %swap3A_242 = tpu.vector_load %arg17[%swap3A_241] {strides = array<i32>} : memref<16xf32, #tpu.memory_space<vmem>>, vector<16xf32>,
    %swap3A_243 = vector.shape_cast %swap3A_242 : vector<16xf32> to vector<16xf32>
    %swap3A_244 = vector.shape_cast %scan3A_239 : vector<16xf32> to vector<16xf32>
    tpu.vector_store %arg17[%swap3A_241], %swap3A_244 {strides = array<i32>} : memref<16xf32, #tpu.memory_space<vmem>>, vector<16xf32>,
    "tpu.region"() ({
      %run_scoped3A = tpu.sem_alloc : memref<!tpu.dma_semaphore, #tpu.memory_space<semaphore_mem>>
      %dma_start3A_245 = arith.constant 0 : i32
      %dma_start3A_246 = tpu.memref_slice %arg9[%add3A, %dma_start3A_245] : memref<32x16xf32, #tpu.memory_space<hbm>> -> memref<1x16xf32, #tpu.memory_space<hbm>>
      %dma_start3A_247 = tpu.memref_squeeze %dma_start3A_246 : memref<1x16xf32, #tpu.memory_space<hbm>> -> memref<16xf32, #tpu.memory_space<hbm>>
      %dma_start3A_248 = arith.constant 0 : i32
      %dma_start3A_249 = tpu.memref_slice %arg9[%add3A, %dma_start3A_248] : memref<32x16xf32, #tpu.memory_space<hbm>> -> memref<1x16xf32, #tpu.memory_space<hbm>>
      %dma_start3A_250 = tpu.memref_squeeze %dma_start3A_249 : memref<1x16xf32, #tpu.memory_space<hbm>> -> memref<16xf32, #tpu.memory_space<hbm>>
      tpu.enqueue_dma source(%arg17 : memref<16xf32, #tpu.memory_space<vmem>>) target(%dma_start3A_250 : memref<16xf32, #tpu.memory_space<hbm>>) target_semaphore(%run_scoped3A : memref<!tpu.dma_semaphore, #tpu.memory_space<semaphore_mem>>)
      %dma_wait3A_251 = arith.constant 0 : i32
      %dma_wait3A_252 = tpu.memref_slice %arg9[%add3A, %dma_wait3A_251] : memref<32x16xf32, #tpu.memory_space<hbm>> -> memref<1x16xf32, #tpu.memory_space<hbm>>
      %dma_wait3A_253 = tpu.memref_squeeze %dma_wait3A_252 : memref<1x16xf32, #tpu.memory_space<hbm>> -> memref<16xf32, #tpu.memory_space<hbm>>
      %dma_wait3A_254 = arith.constant 0 : i32
      %dma_wait3A_255 = tpu.memref_slice %arg9[%add3A, %dma_wait3A_254] : memref<32x16xf32, #tpu.memory_space<hbm>> -> memref<1x16xf32, #tpu.memory_space<hbm>>
      %dma_wait3A_256 = tpu.memref_squeeze %dma_wait3A_255 : memref<1x16xf32, #tpu.memory_space<hbm>> -> memref<16xf32, #tpu.memory_space<hbm>>
      tpu.wait_dma2 semaphore(%run_scoped3A : memref<!tpu.dma_semaphore, #tpu.memory_space<semaphore_mem>>) src(%arg17 : memref<16xf32, #tpu.memory_space<vmem>>) dst(%dma_wait3A_256 : memref<16xf32, #tpu.memory_space<hbm>>)
      tpu.yield
    }) : () -> ()
    return
  }
}

module attributes {stable_mosaic.version = 14 : i64} {
  func.func @_tc_body(%arg0: i32, %arg1: memref<128xf32, #tpu.memory_space<vmem>>, %arg2: memref<128x32000xf32, #tpu.memory_space<vmem>>, %arg3: memref<1x1xf32, #tpu.memory_space<vmem>>) attributes {dimension_semantics = [#tpu.dimension_semantics<arbitrary>], iteration_bounds = array<i64: 24>, scalar_prefetch = 0 : i64, scratch_operands = 0 : i64, tpu.core_type = #tpu.core_type<tc>, window_params = [{transform_indices = @transform_0, window_bounds = array<i64: 128>}, {transform_indices = @transform_1, window_bounds = array<i64: 128, 32000>}, {pipeline_mode = #tpu.pipeline_mode<synchronous>, transform_indices = @transform_2, window_bounds = array<i64: 1, 1>}]} {
    %get3A = arith.constant 0 : index
    %get3A_0 = arith.constant 0 : index
    %get3A_1 = vector.load %arg2[%get3A, %get3A_0] : memref<128x32000xf32, #tpu.memory_space<vmem>>, vector<128x32000xf32>
    %get3A_2 = arith.constant 0 : index
    %get3A_3 = vector.load %arg1[%get3A_2] : memref<128xf32, #tpu.memory_space<vmem>>, vector<128xf32>
    %broadcast_in_dim3A = vector.shape_cast %get3A_3 : vector<128xf32> to vector<128x1xf32>
    %mul3A = vector.broadcast %broadcast_in_dim3A : vector<128x1xf32> to vector<128x32000xf32>
    %mul3A_4 = arith.mulf %get3A_1, %mul3A : vector<128x32000xf32>
    %reduce_sum3A = vector.shape_cast %mul3A_4 : vector<128x32000xf32> to vector<1x128x32000xf32>
    %reduce_sum3A_5 = arith.constant dense<0.000000e+00> : vector<1xf32>
    %reduce_sum3A_6 = vector.multi_reduction <add>, %reduce_sum3A, %reduce_sum3A_5 [1, 2] : vector<1x128x32000xf32> to vector<1xf32>
    %reduce_sum3A_7 = vector.shape_cast %reduce_sum3A_6 : vector<1xf32> to vector<1x1x1xf32>
    %reduce_sum3A_8 = vector.extract %reduce_sum3A_7[0, 0, 0] : f32 from vector<1x1x1xf32>
    %broadcast_in_dim3A_9 = vector.broadcast %reduce_sum3A_8 : f32 to vector<1x1xf32>
    %eq3A = arith.constant 0 : i32
    %eq3A_10 = arith.cmpi eq, %arg0, %eq3A : i32
    %convert_element_type3A = arith.extui %eq3A_10 : i1 to i32
    %cond3A = arith.constant 0 : i32
    %cond3A_11 = arith.cmpi ne, %convert_element_type3A, %cond3A : i32
    scf.if %cond3A_11 {
      %broadcast_in_dim3A_17 = arith.constant 0.000000e+00 : f32
      %broadcast_in_dim3A_18 = vector.broadcast %broadcast_in_dim3A_17 : f32 to vector<1x1xf32>
      %swap3A_19 = arith.constant 0 : index
      %swap3A_20 = arith.constant 0 : index
      %swap3A_21 = vector.load %arg3[%swap3A_19, %swap3A_20] : memref<1x1xf32, #tpu.memory_space<vmem>>, vector<1x1xf32>
      tpu.vector_store %arg3[%swap3A_19, %swap3A_20], %broadcast_in_dim3A_18 {strides = array<i32>} : memref<1x1xf32, #tpu.memory_space<vmem>>, vector<1x1xf32>,
    } else {
    }
    %get3A_12 = arith.constant 0 : index
    %get3A_13 = arith.constant 0 : index
    %get3A_14 = vector.load %arg3[%get3A_12, %get3A_13] : memref<1x1xf32, #tpu.memory_space<vmem>>, vector<1x1xf32>
    %add3A = arith.addf %get3A_14, %broadcast_in_dim3A_9 : vector<1x1xf32>
    %swap3A = arith.constant 0 : index
    %swap3A_15 = arith.constant 0 : index
    %swap3A_16 = vector.load %arg3[%swap3A, %swap3A_15] : memref<1x1xf32, #tpu.memory_space<vmem>>, vector<1x1xf32>
    tpu.vector_store %arg3[%swap3A, %swap3A_15], %add3A {strides = array<i32>} : memref<1x1xf32, #tpu.memory_space<vmem>>, vector<1x1xf32>,
    return
  }
  func.func @transform_0(%arg0: i32) -> i32 {
    %c0_i32 = arith.constant 0 : i32
    return %arg0 : i32
  }
  func.func @transform_1(%arg0: i32) -> (i32, i32) {
    %c0_i32 = arith.constant 0 : i32
    %c0_i32_0 = arith.constant 0 : i32
    return %arg0, %c0_i32 : i32, i32
  }
  func.func @transform_2(%arg0: i32) -> (i32, i32) {
    %c0_i32 = arith.constant 0 : i32
    %c0_i32_0 = arith.constant 0 : i32
    %c0_i32_1 = arith.constant 0 : i32
    return %c0_i32, %c0_i32_0 : i32, i32
  }
}

</mosaic_0001>

<sc_bundles>
// kernel: kernel.4.cloned.1.call-start
scs
__scs_entry_jumppad:
0x0: {  	(pc) =	sbr.rel $0x88, $3  }
0x1: {  	(tag) =	ssettag $0x0;
	lr =	simm.s32 $0x1  }
0x2: {  	[smem:$0x3F9E] =	sst lr;
	_ =	strace $0xD0000000  }
0x3: {  	_ = 	snop  }
0x4: {  	_ = 	snop  }
0x5: {  	_ = 	snop  }
0x6: {  	_ = 	snop  }
0x7: {  	_ = 	snop  }
__scs_overlays_trampoline_lowered:
0x8: {  	[smem:$0x3FAD] =	sst s0  }
0x9: {  	[smem:$0x3FAE] =	sst s1  }
0xa: {  	[smem:$0x3FAF] =	sst s2  }
0xb: {  	[smem:$0x3FB0] =	sst s3  }
0xc: {  	[smem:$0x3FB1] =	sst s4  }
0xd: {  	[smem:$0x3FB2] =	sst s5  }
0xe: {  	[smem:$0x3FB3] =	sst s6  }
0xf: {  	[smem:$0x3FB4] =	sst s7  }
0x10: {  	[smem:$0x3FB5] =	sst s8  }
0x11: {  	[smem:$0x3FB6] =	sst s9;
	s0 =	simm.s32 @!p0 $0x0  }
0x12: {  	s1 =	sld [smem:$0x3F9C];
	s0 =	simm.s32 @p0 $0x1  }
0x13: {  	[smem:$0x3FB7] =	sst s0;
	s0 =	simm.s32 @!p1 $0x0  }
0x14: {  	s2 =	sld [smem:$0x3F9B];
	s0 =	simm.s32 @p1 $0x1  }
0x15: {  	[smem:$0x3FB8] =	sst s0;
	s0 =	simm.s32 @!p2 $0x0  }
0x16: {  	s3 =	sld [smem:$0x3FDB];
	s0 =	simm.s32 @p2 $0x1  }
0x17: {  	s4 =	simm.s32 $0x1BF5;
	[smem:$0x3FBA] =	sst s0  }
0x18: {  	s0 =	sld [smem:$0x3F9D];
	_ =	swait.ge [sflag:s4], $0x0  }
0x19: {  	s7 =	sld [smem:$0x3F9E]  }
0x1a: {  	s8 =	sadd.s32 $0xFFFFE003, lr  }
0x1b: {  	s9 =	sadd.s32 $0xFFFFFEF7, lr;
	s5 =	simm.s32 $0xFFFFFFFF;
	p2 =	slt.u32 s8, $0xFFFFF086  }
0x1c: {  	p1 =	slt.u32 s9, $0xF7A;
	s5 =	simm.s32 @!p2 $0x0  }
0x1d: {  	s5 =	simm.s32 @p1 $0x1;
	p0 =	seq.s32 s7, s2  }
0x1e: {  	s7 =	smul.u32 @!p0 $0xF7A, s2;
	p2 =	seq.s32 @!p0 s5, $0x0  }
0x1f: {  	s9 =	smul.u32 $0xF7A, s1;
	s8 =	simm.s32 @!p0 $0x1BF5;
	p2 =	por !p2, p0  }
0x20: {  	[sflag:s8] =	ssyncset.s32 @!p0 $0xFFFFF086;
	s6 =	sadd.s32 @!p0 s3, s7;
	s7 =	simm.s32 @!p0 $0x108  }
0x21: {  	s3 =	sadd.s32 s3, s9;
	s6 =	sadd.s32 @!p0 $0x88, s6;
	s7 =	simm.s32 @p2 $0x1082  }
0x22: {  	[simem:s7], [sflag:s8] =	dma.local @!p0 [hbm:s6], $0xF7A  }
0x23: {  	s9 =	sor.u32 $0xD0000000, s2;
	s6 =	simm.s32 $0x108;
	_ =	swait.ge @!p0 [sflag:s8], $0x0  }
0x24: {  	s3 =	sadd.s32 $0x88, s3;
	s6 =	simm.s32 @!p1 $0x1082;
	[sflag:s4] =	ssyncset.s32 $0xFFFFF086  }
0x25: {  	[simem:s6], [sflag:s4] =	dma.local [hbm:s3], $0xF7A  }
0x26: {  	[smem:$0x3F9E] =	sst s1;
	(tag) =	ssettag s2;
	_ =	strace s9  }
0x27: {  	s1 =	sld [smem:$0x3FAE]  }
0x28: {  	s2 =	sld [smem:$0x3FAF]  }
0x29: {  	s4 =	sld [smem:$0x3FB1]  }
0x2a: {  	p0 =	seq.s32 s5, $0x0;
	s5 =	sld [smem:$0x3FB2]  }
0x2b: {  	s6 =	sld [smem:$0x3FB3]  }
0x2c: {  	s7 =	sld [smem:$0x3FB4]  }
0x2d: {  	s3 =	simm.s32 $0x108;
	s8 =	sld [smem:$0x3FB5]  }
0x2e: {  	s3 =	simm.s32 @!p0 $0x1082;
	s9 =	sld [smem:$0x3FB6]  }
0x2f: {  	lr =	sadd.s32 s0, s3;
	s0 =	sld [smem:$0x3FAD]  }
0x30: {  	s3 =	sld [smem:$0x3FB0]  }
0x31: {  	[smem:$0x3FB9] =	sst s10  }
0x32: {  	s10 =	sld [smem:$0x3FB7];
	_ =	sdelay $0x3  }
0x33: {  	p0 =	seq.s32 s10, $0x1;
	s10 =	sld [smem:$0x3FB9];
	_ =	sdelay $0x3  }
0x34: {  	[smem:$0x3FB9] =	sst s10  }
0x35: {  	s10 =	sld [smem:$0x3FB8];
	_ =	sdelay $0x3  }
0x36: {  	p1 =	seq.s32 s10, $0x1;
	s10 =	sld [smem:$0x3FB9];
	_ =	sdelay $0x3  }
0x37: {  	[smem:$0x3FB9] =	sst s10  }
0x38: {  	s10 =	sld [smem:$0x3FBA]  }
0x39: {  	_ = 	snop;
	(pc) =	sbr.ind lr, $3  }
0x3a: {  	_ = 	snop  }
0x3b: {  	_ = 	snop  }
0x3c: {  	p2 =	seq.s32 s10, $0x1;
	s10 =	sld [smem:$0x3FB9]  }
0x3d: {  	_ =	shalt  }
0x3e: {  	_ =	shalt  }
0x3f: {  	_ =	shalt  }
0x40: {  	_ =	shalt  }
0x41: {  	_ =	shalt  }
0x42: {  	_ =	shalt  }
0x43: {  	_ =	shalt  }
0x44: {  	_ =	shalt  }
0x45: {  	_ =	shalt  }
0x46: {  	_ =	shalt  }
0x47: {  	_ =	shalt  }
0x48: {  	_ =	shalt  }
0x49: {  	_ =	shalt  }
0x4a: {  	_ =	shalt  }
0x4b: {  	_ =	shalt  }
0x4c: {  	_ =	shalt  }
0x4d: {  	_ =	shalt  }
0x4e: {  	_ =	shalt  }
0x4f: {  	_ =	shalt  }
0x50: {  	_ =	shalt  }
0x51: {  	_ =	shalt  }
0x52: {  	_ =	shalt  }
0x53: {  	_ =	shalt  }
0x54: {  	_ =	shalt  }
0x55: {  	_ =	shalt  }
0x56: {  	_ =	shalt  }
0x57: {  	_ =	shalt  }
0x58: {  	_ =	shalt  }
0x59: {  	_ =	shalt  }
0x5a: {  	_ =	shalt  }
0x5b: {  	_ =	shalt  }
0x5c: {  	_ =	shalt  }
0x5d: {  	_ =	shalt  }
0x5e: {  	_ =	shalt  }
0x5f: {  	_ =	shalt  }
0x60: {  	_ =	shalt  }
0x61: {  	_ =	shalt  }
0x62: {  	_ =	shalt  }
0x63: {  	_ =	shalt  }
0x64: {  	_ =	shalt  }
0x65: {  	_ =	shalt  }
0x66: {  	_ =	shalt  }
0x67: {  	_ =	shalt  }
0x68: {  	_ =	shalt  }
0x69: {  	_ =	shalt  }
0x6a: {  	_ =	shalt  }
0x6b: {  	_ =	shalt  }
0x6c: {  	_ =	shalt  }
0x6d: {  	_ =	shalt  }
0x6e: {  	_ =	shalt  }
0x6f: {  	_ =	shalt  }
0x70: {  	_ =	shalt  }
0x71: {  	_ =	shalt  }
0x72: {  	_ =	shalt  }
0x73: {  	_ =	shalt  }
0x74: {  	_ =	shalt  }
0x75: {  	_ =	shalt  }
0x76: {  	_ =	shalt  }
0x77: {  	_ =	shalt  }
0x78: {  	_ =	shalt  }
0x79: {  	_ =	shalt  }
0x7a: {  	_ =	shalt  }
0x7b: {  	_ =	shalt  }
0x7c: {  	_ =	shalt  }
0x7d: {  	_ =	shalt  }
0x7e: {  	_ =	shalt  }
0x7f: {  	_ =	shalt  }
0x80: {  	_ =	shalt  }
0x81: {  	_ =	shalt  }
0x82: {  	_ =	shalt  }
0x83: {  	_ =	shalt  }
0x84: {  	_ =	shalt  }
0x85: {  	_ =	shalt  }
0x86: {  	_ =	shalt  }
0x87: {  	_ =	shalt  }
.Lfunc_end0:
.L_simem_size_0:
called_computation_lowered:
.L_overlay_start_0:
0x88: {  	s2 =	sld [smem:$0x3FD9]  }
0x89: {  	s3 =	sld [smem:$0x3FFE];
	_ =	sdelay $0x1  }
0x8a: {  	s1 =	srdreg.scid  }
0x8b: {  	s0 =	sand.u32 $0x1, s1  }
0x8c: {  	s17 =	sshll.u32 s0, $0xA;
	s2 =	sadd.s32 s3, s2  }
0x8d: {  	s2 =	sadd.s32 s2, s17  }
0x8e: {  	[smem:$0x3FC5] =	sst s2  }
0x8f: {  	_ = 	snop  }
0x90: {  	s2 =	sld [smem:$0x3FC9]  }
0x91: {  	s18 =	sld [smem:$0x3FC8]  }
0x92: {  	s4 =	sld [smem:$0x3FC7];
	(tm) =	ssettm $0x1  }
0x93: {  	s5 =	sld [smem:$0x3FFB];
	_ =	sdelay $0x3  }
0x94: {  	_ =	strace s5  }
0x95: {  	s5 =	sld [smem:$0x3FFC];
	_ =	sdelay $0x3  }
0x96: {  	_ =	strace s5  }
0x97: {  	s5 =	sld [smem:$0x3FFD];
	_ =	sdelay $0x3  }
0x98: {  	_ =	strace s5  }
0x99: {  	_ =	strace $0x8FFFFFFF  }
0x9a: {  	s19 =	sld [smem:$0x3FDB];
	_ =	sdelay $0x1  }
0x9b: {  	s6 =	simm.s32 $_scs_section_size  }
0x9c: {  	s7 =	simm.s32 $_size__tile_overlayer_lowered;
	s8 =	simm.s32 $_tile_overlayer_lowered  }
0x9d: {  	s22 =	simm.s32 $0x1BFF;
	s21 =	sshll.u32 s8, $0x1;
	s5 =	sadd.s32 s6, s19  }
0x9e: {  	s9 =	simm.s32 $0x0;
	s20 =	sshll.u32 s7, $0x1;
	s7 =	sadd.s32 s21, s5  }
0x9f: {  	[timem:s9], [sflag:s22] =	dma.local [hbm:s7], s20  }
0xa0: {  	_ =	swait.ge [sflag:s22], s20  }
0xa1: {  	s6 =	ssub.s32 $0x0, s20;
	[sflag:s22] =	ssyncset.done $0x0  }
0xa2: {  	[sflag:s22] =	ssyncadd.s32 s6;
	_ =	sdelay $0x1  }
0xa3: {  	s23 =	simm.s32 $0x1B8B  }
0xa4: {  	_ =	swait.ge [sflag:s23], $0x1  }
0xa5: {  	[sflag:s23] =	ssyncset.done $0x0  }
0xa6: {  	s25 =	simm.s32 $0x1B8E;
	s24 =	sld [smem:$0x3FFE];
	[sflag:s23] =	ssyncadd.s32 $0xFFFFFFFF  }
0xa7: {  	s26 =	simm.s32 $execute0_lowered;
	[smem:$0x3FD2] =	sst s25  }
0xa8: {  	s7 =	sshll.u32 s26, $0x1;
	_ =	strace $0x80000046;
	[dreg:$0x1] =	wrdreg $0xFFFFFFFF  }
0xa9: {  	s28 =	simm.s32 $_size_execute0_lowered;
	s5 =	sadd.s32 s5, s7;
	[dreg:$0x0] =	wrdreg $0x0  }
0xaa: {  	s7 =	sshll.u32 s28, $0x1;
	[dreg:$0x2] =	wrdreg s5  }
0xab: {  	[dreg:$0x3] =	wrdreg s7  }
0xac: {  	[dreg:$0x4] =	wrdreg $0xC0  }
0xad: {  	_ =	task [dreg:s9], $0x5FFFF  }
0xae: {  	[dreg:$0x1] =	wrdreg $0xFFFFFFFF  }
0xaf: {  	[dreg:$0x0] =	wrdreg $0x60  }
0xb0: {  	[dreg:$0x2] =	wrdreg s24  }
0xb1: {  	[dreg:$0x3] =	wrdreg s2  }
0xb2: {  	[dreg:$0x4] =	wrdreg s18  }
0xb3: {  	[dreg:$0x5] =	wrdreg s4  }
0xb4: {  	[dreg:$0x6] =	wrdreg $0x9  }
0xb5: {  	_ =	task.clear_ibuf [dreg:s9], $0x7FFFF;
	_ =	strace $0x90000046  }
0xb6: {  	s29 =	simm.s32 $0x9;
	_ =	strace $0x80000048  }
0xb7: {  	_ =	swait.ge [sflag:s29], $0x1  }
0xb8: {  	[sflag:s29] =	ssyncadd.s32 $0xFFFFFFFF  }
0xb9: {  	_ =	strace $0x90000048  }
0xba: {  	_ =	sfence  }
0xbb: {  	s30 =	sld [smem:$0x0];
	_ =	sdelay $0x2  }
0xbc: {  	s31 =	sshll.u32 s1, $0xD;
	s1 =	sshrl.u32 s1, $0x2  }
0xbd: {  	s3 =	sand.u32 $0x4000, s31;
	s1 =	sadd.s32 s1, s30  }
0xbe: {  	s0 =	sor.u32 s3, s0;
	s1 =	sshll.u32 s1, $0x11  }
0xbf: {  	s0 =	sor.u32 s1, s0  }
0xc0: {  	s0 =	sadd.s32 $0x8F2B, s0  }
0xc1: {  	[sflag:s0] =	ssyncadd.remote.s32 $0x1  }
0xc2: {  	_ =	sfence.sel $0xFFFF  }
0xc3: {  	[dreg:$0x0] =	wrdreg $0xFFFFFFFF;
	(pc) =	sbr.abs _section_cstart, $3  }
0xc4: {  	[dreg:$0x1] =	wrdreg $0xFFFFFFFF  }
0xc5: {  	_ =	task.clear_ibuf [dreg:s9], $0x2FFFF;
	_ =	strace $0x9FFFFFFF  }
0xc6: {  	(tm) =	ssettm $0x7FFFFFFF  }
0xc7: {  	_ =	shalt  }
tec
execute0_lowered:
.L_overlay_start_1:
0x0: {  	(tag) =	ssettag $0x1  }
0x1: {  	s10 =	rddreg [dreg:$0x0]  }
0x2: {  	s1 =	rddreg [dreg:$0x1]  }
0x3: {  	s5 =	rddreg [dreg:$0x2];
	s2 =	srdreg.scid  }
0x4: {  	s0 =	stileid.u32;
	s6 =	rddreg [dreg:$0x3];
	s3 =	simm.s32 $0x0  }
0x5: {  	s16 =	simm.s32 $0x100;
	s4 =	sand.u32 $0x1, s2;
	s7 =	sshll.u32 s0, $0x1  }
0x6: {  	s17 =	simm.s32 $0x180;
	s18 =	simm.s32 $0x1;
	s8 =	sor.u32 s4, s7  }
0x7: {  	s19 =	simm.s32 $0xFE00;
	s20 =	simm.s32 $0x200;
	s9 =	sshll.u32 s8, $0x7  }
0x8: {  	v3 =	vlaneseq.u32;
	s21 =	simm.s32 $0x400;
	[smem:$0x7FF] =	sst s3;
	s23 =	sor.u32 $0x10, s9;
	v0 =	vmov s9  }
0x9: {  	v7 =	vmul.u32 $0x7D00, v3;
	s13 =	sor.u32 $0x20, s9;
	s25 =	sor.u32 $0x30, s9;
	s26 =	sor.u32 $0x40, s9;
	v1 =	vmov s23;
	v0 =	vmul.u32 $0x7D00, v0  }
0xa: {  	s28 =	sor.u32 $0x50, s9;
	s29 =	sor.u32 $0x60, s9;
	s9 =	sor.u32 $0x70, s9;
	v2 =	vmov s13;
	v3 =	vmov s25;
	v4 =	vmov s26  }
0xb: {  	s2 =	rddreg [dreg:$0x4];
	_ =	strace $0x80000047;
	s22 =	ssub.s32 $0x2, s4;
	v5 =	vmov s28;
	v6 =	vmov s29;
	v8 =	vmov s9  }
0xc: {  	s4 =	sadd.s32 $0x800, s10;
	s11 =	sshll.u32 s8, $0x4;
	s12 =	sshrl.u32 s22, $0x1;
	v1 =	vmul.u32 $0x7D00, v1;
	v2 =	vmul.u32 $0x7D00, v2;
	v3 =	vmul.u32 $0x7D00, v3  }
0xd: {  	s24 =	sshll.u32 s8, $0x5;
	s31 =	sshll.u32 s8, $0x6;
	s14 =	sadd.s32 s11, s10;
	v4 =	vmul.u32 $0x7D00, v4;
	v5 =	vmul.u32 $0x7D00, v5;
	v0 =	vbroadcast v0, $0x0  }
0xe: {  	s15 =	ssub.s32 s22, s12;
	s5 =	sadd.s32 s5, s11;
	s6 =	sadd.s32 s6, s11;
	v6 =	vmul.u32 $0x7D00, v6;
	v1 =	vbroadcast v1, $0x0;
	v2 =	vbroadcast v2, $0x0  }
0xf: {  	s7 =	sor.u32 $0xC00, s24;
	s10 =	sadd.s32 s10, s31;
	s22 =	simm.s32 $0x2;
	v8 =	vmul.u32 $0x7D00, v8;
	v3 =	vbroadcast v3, $0x0;
	v4 =	vbroadcast v4, $0x0  }
0x10: {  	s30 =	sshrl.u32 s7, $0x3;
	s8 =	sadd.s32 $0xFA0800, s14;
	s9 =	sadd.s32 $0xFA0C00, s14;
	v5 =	vbroadcast v5, $0x0;
	v6 =	vbroadcast v6, $0x0  }
0x11: {  	s24 =	simm.s32 $0x3;
	s12 =	sadd.s32 $0xFA0A00, s14;
	s13 =	smul.u32 $0x7D00, s30;
	v8 =	vbroadcast v8, $0x0;
	v0 =	vadd.s32 v7, v0;
	v1 =	vadd.s32 v7, v1  }
0x12: {  	s14 =	simm.s32 $0x4;
	s23 =	simm.s32 $0x8100;
	s25 =	simm.s32 $0x0;
	v2 =	vadd.s32 v7, v2;
	v3 =	vadd.s32 v7, v3;
	v4 =	vadd.s32 v7, v4  }
0x13: {  	s11 =	sadd.s32 s1, s13;
	s13 =	smax.u32 s15, $0x1;
	s15 =	simm.s32 $0x80;
	v5 =	vadd.s32 v7, v5;
	v6 =	vadd.s32 v7, v6;
	v7 =	vadd.s32 v7, v8  }
.LBB2_1:
0x14: {  	[tilespmem:s3], [sflag:$0x4] =	stream.linear.gather [hbm4b:s5+s3], $0x80, $0x38;
	[tilespmem:$0xFE80] =	vst v63  }
0x15: {  	_ =	swait.ge [sflag:s14], $0x80  }
0x16: {  	[sflag:s14] =	ssyncset.done $0x0  }
0x17: {  	[sflag:s14] =	ssyncadd.s32 $0xFFFFFF80  }
0x18: {  	[tilespmem:s15], [sflag:$0x4] =	stream.linear.gather [hbm4b:s6+s3], $0x80, $0x38;
	[tilespmem:$0xFE80] =	vst v63  }
0x19: {  	_ =	swait.ge [sflag:s14], $0x80  }
0x1a: {  	[sflag:s14] =	ssyncset.done $0x0  }
0x1b: {  	[sflag:s14] =	ssyncadd.s32 $0xFFFFFF80  }
0x1c: {  	v8 =	vld [tilespmem:$0x0]  }
0x1d: {  	v9 =	vld [tilespmem:$0x10]  }
0x1e: {  	v10 =	vld [tilespmem:$0x20]  }
0x1f: {  	v11 =	vld [tilespmem:$0x30]  }
0x20: {  	v12 =	vld [tilespmem:$0x40]  }
0x21: {  	v13 =	vld [tilespmem:$0x50];
	v8 =	vadd.s32 v8, v0  }
0x22: {  	[tilespmem:$0x100] =	vst v8;
	v8 =	vadd.s32 v9, v1;
	v9 =	vld [tilespmem:$0x60]  }
0x23: {  	[tilespmem:$0x110] =	vst v8;
	v8 =	vadd.s32 v10, v2;
	v10 =	vld [tilespmem:$0x70]  }
0x24: {  	[tilespmem:$0x120] =	vst v8;
	v8 =	vadd.s32 v11, v3  }
0x25: {  	[tilespmem:$0x130] =	vst v8;
	v8 =	vadd.s32 v12, v4  }
0x26: {  	[tilespmem:$0x140] =	vst v8;
	v8 =	vadd.s32 v13, v5  }
0x27: {  	[tilespmem:$0x150] =	vst v8;
	v8 =	vadd.s32 v9, v6  }
0x28: {  	[tilespmem:$0x160] =	vst v8;
	v8 =	vadd.s32 v10, v7  }
0x29: {  	[tilespmem:$0x170] =	vst v8  }
0x2a: {  	[tilespmem:s17], [sflag:$0x1] =	stream.indirect.gather [hbm4b:s4+s15], $0x1, s16, s15, $0xb8;
	[tilespmem:$0xFE80] =	vst v63  }
0x2b: {  	_ =	swait.ge [sflag:s18], $0x80  }
0x2c: {  	[sflag:s18] =	ssyncset.done $0x0  }
0x2d: {  	[sflag:s18] =	ssyncadd.s32 $0xFFFFFF80  }
0x2e: {  	v8 =	vld [tilespmem:$0x80]  }
0x2f: {  	v9 =	vld [tilespmem:$0x180]  }
0x30: {  	v10 =	vld [tilespmem:$0x90]  }
0x31: {  	v11 =	vld [tilespmem:$0x190]  }
0x32: {  	v55 =	vld [tilespmem:$0xA0]  }
0x33: {  	v56 =	vld [tilespmem:$0x1A0];
	v8 =	vcvt.s32.f32 v8  }
0x34: {  	v14 =	vld [tilespmem:$0xB0]  }
0x35: {  	v15 =	vld [tilespmem:$0x1B0];
	v10 =	vcvt.s32.f32 v10;
	v9 =	vmul.f32 v8, v9  }
0x36: {  	v16 =	vld [tilespmem:$0xC0]  }
0x37: {  	v17 =	vld [tilespmem:$0x1C0];
	v12 =	vcvt.s32.f32 v55;
	v11 =	vmul.f32 v10, v11;
	v9 =	vadd.f32 $0.0e+00, v9  }
0x38: {  	v18 =	vld [tilespmem:$0xD0]  }
0x39: {  	v58 =	vld [tilespmem:$0x1D0];
	v57 =	vcvt.s32.f32 v14;
	v9 =	vadd.f32 v11, v9;
	v11 =	vmul.f32 v12, v56  }
0x3a: {  	v19 =	vld [tilespmem:$0xE0]  }
0x3b: {  	v60 =	vld [tilespmem:$0x1E0];
	v59 =	vcvt.s32.f32 v16;
	v9 =	vadd.f32 v11, v9;
	v11 =	vmul.f32 v57, v15  }
0x3c: {  	v20 =	vld [tilespmem:$0xF0]  }
0x3d: {  	v61 =	vcvt.s32.f32 v18;
	v9 =	vadd.f32 v11, v9;
	v11 =	vmul.f32 v59, v17  }
0x3e: {  	v8 =	vadd.f32 v10, v8;
	v10 =	vld [tilespmem:$0x1F0]  }
0x3f: {  	v62 =	vcvt.s32.f32 v19;
	v9 =	vadd.f32 v11, v9;
	v11 =	vmul.f32 v61, v58  }
0x40: {  	v8 =	vadd.f32 v12, v8  }
0x41: {  	v63 =	vcvt.s32.f32 v20;
	v9 =	vadd.f32 v11, v9;
	v11 =	vmul.f32 v62, v60  }
0x42: {  	v8 =	vadd.f32 v57, v8  }
0x43: {  	v10 =	vmul.f32 v63, v10;
	v9 =	vadd.f32 v11, v9  }
0x44: {  	v8 =	vadd.f32 v59, v8  }
0x45: {  	v9 =	vadd.f32 v10, v9  }
0x46: {  	v8 =	vadd.f32 v61, v8  }
0x47: {  	[tilespmem:$0xFE00] =	vst v9  }
0x48: {  	v8 =	vadd.f32 v62, v8;
	[hbm4b:s8+s3] =	stream.linear.scatter [tilespmem:s19], [sflag:$0x4], $0x80, $0x38;
	[tilespmem:$0xFE80] =	vst v63  }
0x49: {  	_ =	swait.ge [sflag:s14], $0x80  }
0x4a: {  	v8 =	vadd.f32 v63, v8;
	[sflag:s14] =	ssyncset.done $0x0  }
0x4b: {  	[sflag:s14] =	ssyncadd.s32 $0xFFFFFF80  }
0x4c: {  	[tilespmem:$0xFE00] =	vst v8  }
0x4d: {  	[hbm4b:s9+s3] =	stream.linear.scatter [tilespmem:s19], [sflag:$0x4], $0x80, $0x38;
	[tilespmem:$0xFE80] =	vst v63  }
0x4e: {  	_ =	swait.ge [sflag:s14], $0x80  }
0x4f: {  	[sflag:s14] =	ssyncset.done $0x0  }
0x50: {  	[sflag:s14] =	ssyncadd.s32 $0xFFFFFF80  }
0x51: {  	[tilespmem:s20], [sflag:$0x4] =	stream.linear.gather [hbm4b:s10+s3], $0x200, $0x38;
	[tilespmem:$0xFE80] =	vst v63  }
0x52: {  	_ =	swait.ge [sflag:s14], $0x200  }
0x53: {  	[sflag:s14] =	ssyncset.done $0x0  }
0x54: {  	s26 =	simm.s32 $0x0;
	[sflag:s14] =	ssyncadd.s32 $0xFFFFFE00  }
0x55: {  	v8 =	vimm.f32 $0.0e+00;
	[tilespmem:s21], [sflag:$0x2] =	stream.strided.gather [hbm4b:s11+s15], $0x7D00, s21, s15, $0x38;
	[tilespmem:$0xFE80] =	vst v63  }
.LBB2_2:
0x56: {  	s28 =	sshll.u32 s26, $0x1  }
0x57: {  	s28 =	sadd.s32 s7, s28  }
0x58: {  	s29 =	sshrl.u32 s28, $0x3  }
0x59: {  	s30 =	sshll.u32 s26, $0x8;
	s29 =	smul.u32 $0x3E800, s29  }
0x5a: {  	s30 =	sand.u32 $0x300, s30  }
0x5b: {  	s29 =	sor.u32 s29, s30  }
0x5c: {  	_ =	swait.ge [sflag:s22], $0x7D00;
	s29 =	sor.u32 $0x80, s29  }
0x5d: {  	[sflag:s22] =	ssyncset.done $0x0;
	s29 =	sshrl.u32 s29, $0x3  }
0x5e: {  	[sflag:s22] =	ssyncadd.s32 $0xFFFF8300;
	s29 =	sadd.s32 s1, s29  }
0x5f: {  	[tilespmem:s23], [sflag:$0x3] =	stream.strided.gather [hbm4b:s29+s15], $0x7D00, s21, s15, $0x38;
	[tilespmem:$0xFE80] =	vst v63  }
0x60: {  	s29 =	simm.s32 $0x4A0  }
0x61: {  	v10 =	vld [tilespmem:s29+$0x70]  }
0x62: {  	v11 =	vld [tilespmem:s29+$0xFFFFFF60]  }
0x63: {  	v12 =	vld [tilespmem:s29+$0xFFFFFF70]  }
0x64: {  	v13 =	vld [tilespmem:s29+$0xFFFFFF80]  }
0x65: {  	v14 =	vld [tilespmem:s29+$0xFFFFFF90]  }
0x66: {  	v15 =	vld [tilespmem:s29+$0xFFFFFFA0]  }
0x67: {  	v17 =	vld [tilespmem:s29+$0xFFFFFFB0]  }
0x68: {  	v18 =	vld [tilespmem:s29+$0xFFFFFFC0]  }
0x69: {  	v19 =	vld [tilespmem:s29+$0xFFFFFFD0]  }
0x6a: {  	v16 =	vld [tilespmem:s29+$0xFFFFFFF0]  }
0x6b: {  	v20 =	vld [tilespmem:s29+$0x0]  }
0x6c: {  	v21 =	vld [tilespmem:s29+$0x10]  }
0x6d: {  	v22 =	vld [tilespmem:s29+$0x20]  }
0x6e: {  	v24 =	vld [tilespmem:s29+$0x30]  }
0x6f: {  	s30 =	simm.s32 $0x0;
	v23 =	vld [tilespmem:s29+$0x40]  }
0x70: {  	v9 =	vimm.f32 $0.0e+00;
	s31 =	sand.u32 $0xFFC0, s30;
	s30 =	simm.s32 $0x140;
	v25 =	vld [tilespmem:s29+$0x50]  }
.LBB2_3:
0x71: {  	p0 =	sne.s32 s30, $0x7BC0;
	v26 =	vld [tilespmem:s31+$0x480]  }
0x72: {  	v27 =	vld [tilespmem:s29+$0x80]  }
0x73: {  	v29 =	vadd.f32 v12, v11;
	v13 =	vadd.f32 v14, v13;
	v28 =	vld [tilespmem:s29+$0x90]  }
0x74: {  	v14 =	vadd.f32 v17, v15;
	v15 =	vadd.f32 v19, v18;
	s29 =	sadd.s32 $0x140, s29;
	v30 =	vld [tilespmem:s31+$0x500]  }
0x75: {  	v18 =	vadd.f32 v21, v20;
	v19 =	vadd.f32 v24, v22;
	v17 =	vld [tilespmem:s29+$0x70]  }
0x76: {  	v20 =	vadd.f32 v25, v23;
	v11 =	vld [tilespmem:s29+$0xFFFFFF60];
	v16 =	vadd.f32 v16, v26  }
0x77: {  	v21 =	vadd.f32 v13, v29;
	v22 =	vadd.f32 v15, v14;
	v12 =	vld [tilespmem:s29+$0xFFFFFF70]  }
0x78: {  	v13 =	vld [tilespmem:s29+$0xFFFFFF80];
	v16 =	vadd.f32 v18, v16;
	v18 =	vadd.f32 v20, v19  }
0x79: {  	v20 =	vadd.f32 v28, v27;
	v14 =	vld [tilespmem:s29+$0xFFFFFF90];
	v19 =	vadd.f32 v10, v30  }
0x7a: {  	v21 =	vadd.f32 v22, v21;
	v15 =	vld [tilespmem:s29+$0xFFFFFFA0];
	v16 =	vadd.f32 v18, v16;
	v10 =	vmov v17  }
0x7b: {  	v17 =	vld [tilespmem:s29+$0xFFFFFFB0]  }
0x7c: {  	v20 =	vadd.f32 v20, v19;
	v18 =	vld [tilespmem:s29+$0xFFFFFFC0];
	v21 =	vadd.f32 v16, v21  }
0x7d: {  	v19 =	vld [tilespmem:s29+$0xFFFFFFD0]  }
0x7e: {  	v16 =	vld [tilespmem:s29+$0xFFFFFFF0];
	v22 =	vadd.f32 v20, v21  }
0x7f: {  	v20 =	vld [tilespmem:s29+$0x0]  }
.Ltmp0:
0x80: {  	v21 =	vld [tilespmem:s29+$0x10];
	v9 =	vadd.f32 v22, v9;
	(pc) =	sbr.rel @p0 .LBB2_3-.Ltmp0, $4  }
0x81: {  	v22 =	vld [tilespmem:s29+$0x20]  }
0x82: {  	v24 =	vld [tilespmem:s29+$0x30]  }
0x83: {  	v23 =	vld [tilespmem:s29+$0x40]  }
0x84: {  	s31 =	sand.u32 $0xFFC0, s30;
	s30 =	sadd.s32 $0x140, s30;
	v25 =	vld [tilespmem:s29+$0x50]  }
0x85: {  	v27 =	vld [tilespmem:s29+$0x80];
	p0 =	seq.s32 s26, $0xF  }
0x86: {  	v28 =	vld [tilespmem:s29+$0x90];
	s29 =	sshll.u32 s26, $0x5;
	s30 =	sadd.s32 @!p0 $0x2, s28  }
0x87: {  	s28 =	sand.u32 $0x3FFFFFE0, s29;
	s29 =	sshrl.u32 @!p0 s30, $0x3  }
0x88: {  	v26 =	vld [tilespmem:s31+$0x480];
	s30 =	sshll.u32 @!p0 s30, $0x7;
	s29 =	smul.u32 @!p0 $0x3E800, s29  }
0x89: {  	v29 =	vld [tilespmem:s31+$0x500];
	s30 =	sand.u32 @!p0 $0x300, s30  }
0x8a: {  	v30 =	vld [tilespmem:s28+$0x200];
	_ =	swait.ge [sflag:s24], $0x7D00;
	s29 =	sor.u32 @!p0 s30, s29  }
0x8b: {  	s31 =	simm.s32 @!p0 $0x400;
	[sflag:s24] =	ssyncset.done $0x0;
	s29 =	sshrl.u32 @!p0 s29, $0x3  }
0x8c: {  	[sflag:s24] =	ssyncadd.s32 $0xFFFF8300;
	s30 =	simm.s32 @!p0 $0x80;
	s29 =	sadd.s32 @!p0 s1, s29  }
0x8d: {  	v31 =	vadd.f32 v12, v11;
	v13 =	vadd.f32 v14, v13;
	[tilespmem:s31], [sflag:$0x2] =	stream.strided.gather @!p0 [hbm4b:s29+s30], $0x7D00, s31, s30, $0x38;
	[tilespmem:$0xFE80] =	vst v63  }
0x8e: {  	v14 =	vadd.f32 v17, v15;
	v15 =	vadd.f32 v19, v18;
	s29 =	simm.s32 $0x81A0  }
0x8f: {  	v17 =	vadd.f32 v21, v20;
	v18 =	vadd.f32 v24, v22;
	v11 =	vld [tilespmem:s29+$0x70]  }
0x90: {  	v19 =	vadd.f32 v25, v23;
	v16 =	vadd.f32 v16, v26;
	v12 =	vld [tilespmem:s29+$0xFFFFFF60]  }
0x91: {  	v20 =	vadd.f32 v13, v31;
	v15 =	vadd.f32 v15, v14;
	v13 =	vld [tilespmem:s29+$0xFFFFFF70]  }
0x92: {  	v16 =	vadd.f32 v17, v16;
	v17 =	vadd.f32 v19, v18;
	v14 =	vld [tilespmem:s29+$0xFFFFFF80]  }
0x93: {  	v20 =	vadd.f32 v15, v20;
	v18 =	vadd.f32 v10, v29;
	v10 =	vld [tilespmem:s29+$0xFFFFFF90]  }
0x94: {  	v19 =	vadd.f32 v28, v27;
	v17 =	vadd.f32 v17, v16;
	v15 =	vld [tilespmem:s29+$0xFFFFFFA0]  }
0x95: {  	v16 =	vld [tilespmem:s29+$0xFFFFFFB0]  }
0x96: {  	v21 =	vadd.f32 v19, v18;
	v18 =	vld [tilespmem:s29+$0xFFFFFFC0];
	v17 =	vadd.f32 v17, v20  }
0x97: {  	v19 =	vld [tilespmem:s29+$0xFFFFFFD0]  }
0x98: {  	v22 =	vld [tilespmem:s29+$0x20];
	v21 =	vadd.f32 v21, v17  }
0x99: {  	v24 =	vld [tilespmem:s29+$0x30]  }
0x9a: {  	v23 =	vld [tilespmem:s29+$0x40];
	v9 =	vadd.f32 v21, v9  }
0x9b: {  	v25 =	vld [tilespmem:s29+$0x50]  }
0x9c: {  	v20 =	vld [tilespmem:s29+$0x0];
	v9 =	vmul.f32 v30, v9  }
0x9d: {  	s30 =	simm.s32 $0x0;
	v17 =	vld [tilespmem:s29+$0xFFFFFFF0]  }
0x9e: {  	s26 =	sadd.s32 $0x1, s26;
	s31 =	sand.u32 $0xFFC0, s30;
	s30 =	simm.s32 $0x140;
	v21 =	vld [tilespmem:s29+$0x10];
	v8 =	vadd.f32 v9, v8;
	v9 =	vimm.f32 $0.0e+00  }
.LBB2_5:
0x9f: {  	p0 =	sne.s32 s30, $0x7BC0;
	v26 =	vld [tilespmem:s31+$0x8180]  }
0xa0: {  	v27 =	vld [tilespmem:s29+$0x80]  }
0xa1: {  	v29 =	vadd.f32 v13, v12;
	v10 =	vadd.f32 v10, v14;
	v28 =	vld [tilespmem:s29+$0x90]  }
0xa2: {  	v14 =	vadd.f32 v16, v15;
	v15 =	vadd.f32 v19, v18;
	s29 =	sadd.s32 $0x140, s29;
	v30 =	vld [tilespmem:s31+$0x8200]  }
0xa3: {  	v18 =	vadd.f32 v21, v20;
	v19 =	vadd.f32 v24, v22;
	v16 =	vld [tilespmem:s29+$0x70]  }
0xa4: {  	v20 =	vadd.f32 v25, v23;
	v12 =	vld [tilespmem:s29+$0xFFFFFF60];
	v17 =	vadd.f32 v17, v26  }
0xa5: {  	v21 =	vadd.f32 v10, v29;
	v22 =	vadd.f32 v15, v14;
	v13 =	vld [tilespmem:s29+$0xFFFFFF70]  }
0xa6: {  	v14 =	vld [tilespmem:s29+$0xFFFFFF80];
	v17 =	vadd.f32 v18, v17;
	v18 =	vadd.f32 v20, v19  }
0xa7: {  	v20 =	vadd.f32 v28, v27;
	v10 =	vld [tilespmem:s29+$0xFFFFFF90];
	v19 =	vadd.f32 v11, v30  }
0xa8: {  	v21 =	vadd.f32 v22, v21;
	v15 =	vld [tilespmem:s29+$0xFFFFFFA0];
	v17 =	vadd.f32 v18, v17;
	v11 =	vmov v16  }
0xa9: {  	v16 =	vld [tilespmem:s29+$0xFFFFFFB0]  }
0xaa: {  	v20 =	vadd.f32 v20, v19;
	v18 =	vld [tilespmem:s29+$0xFFFFFFC0];
	v21 =	vadd.f32 v17, v21  }
0xab: {  	v19 =	vld [tilespmem:s29+$0xFFFFFFD0]  }
0xac: {  	v17 =	vld [tilespmem:s29+$0xFFFFFFF0];
	v22 =	vadd.f32 v20, v21  }
0xad: {  	v20 =	vld [tilespmem:s29+$0x0]  }
.Ltmp1:
0xae: {  	v21 =	vld [tilespmem:s29+$0x10];
	v9 =	vadd.f32 v22, v9;
	(pc) =	sbr.rel @p0 .LBB2_5-.Ltmp1, $4  }
0xaf: {  	v22 =	vld [tilespmem:s29+$0x20]  }
0xb0: {  	v24 =	vld [tilespmem:s29+$0x30]  }
0xb1: {  	v23 =	vld [tilespmem:s29+$0x40]  }
0xb2: {  	s31 =	sand.u32 $0xFFC0, s30;
	s30 =	sadd.s32 $0x140, s30;
	v25 =	vld [tilespmem:s29+$0x50]  }
0xb3: {  	v26 =	vld [tilespmem:s31+$0x8180];
	_ =	sdelay $0x1  }
0xb4: {  	v27 =	vld [tilespmem:s29+$0x80];
	v12 =	vadd.f32 v13, v12;
	v10 =	vadd.f32 v10, v14  }
0xb5: {  	v52 =	vld [tilespmem:s31+$0x8200];
	v53 =	vadd.f32 v16, v15;
	v54 =	vadd.f32 v19, v18  }
0xb6: {  	v28 =	vld [tilespmem:s29+$0x90];
	v55 =	vadd.f32 v21, v20;
	v56 =	vadd.f32 v24, v22  }
0xb7: {  	v57 =	vadd.f32 v25, v23;
	v17 =	vadd.f32 v17, v26  }
0xb8: {  	v10 =	vadd.f32 v10, v12;
	v58 =	vadd.f32 v54, v53  }
0xb9: {  	v60 =	vadd.f32 v57, v56;
	v59 =	vadd.f32 v55, v17  }
0xba: {  	v10 =	vadd.f32 v58, v10;
	v11 =	vadd.f32 v11, v52  }
0xbb: {  	v61 =	vadd.f32 v28, v27;
	v62 =	vadd.f32 v60, v59;
	_ =	sdelay $0x1  }
0xbc: {  	v11 =	vadd.f32 v61, v11;
	v10 =	vadd.f32 v62, v10  }
0xbd: {  	v63 =	vld [tilespmem:s28+$0x210]  }
0xbe: {  	v10 =	vadd.f32 v11, v10  }
0xbf: {  	p0 =	sne.s32 s26, $0x10  }
.Ltmp2:
0xc0: {  	v9 =	vadd.f32 v10, v9;
	(pc) =	sbr.rel @p0 .LBB2_2-.Ltmp2, $3  }
0xc1: {  	_ = 	snop  }
0xc2: {  	v9 =	vmul.f32 v63, v9;
	_ =	sdelay $0x1  }
0xc3: {  	v8 =	vadd.f32 v9, v8  }
0xc4: {  	s25 =	sadd.s32 $0x1, s25  }
0xc5: {  	p0 =	sne.s32 s25, s13  }
.Ltmp3:
0xc6: {  	[tilespmem:$0xFE00] =	vst v8;
	(pc) =	sbr.rel @p0 .LBB2_1-.Ltmp3, $4  }
0xc7: {  	[hbm4b:s12+s3] =	stream.linear.scatter [tilespmem:s19], [sflag:$0x4], $0x80, $0x38;
	[tilespmem:$0xFE80] =	vst v63  }
0xc8: {  	_ =	swait.ge [sflag:s14], $0x80  }
0xc9: {  	[sflag:s14] =	ssyncset.done $0x0  }
0xca: {  	[sflag:s14] =	ssyncadd.s32 $0xFFFFFF80  }
0xcb: {  	_ =	sfence.sel $0x180000  }
0xcc: {  	[bflag:$0x0] =	sbarrier.arrive $0xFFFF  }
0xcd: {  	p0 =	sne.s32 s0, $0x0;
	_ =	strace $0x90000047  }
0xce: {  	s0 =	sadd.s32 @!p0 $0x100000, s2;
	[bflag:$0x2] =	sbarrier.arrive $0xFFFF  }
0xcf: {  	[sflag:s0] =	ssyncadd.tile.s32 @!p0 $0x1;
	_ =	shalt  }
.Lfunc_end2:
_tile_overlayer_lowered:
.L_overlay_start_2:
0xd0: {  	(tag) =	ssettag $0x2  }
0xd1: {  	s0 =	rddreg [dreg:$0x0];
	s2 =	stileid.u32  }
0xd2: {  	s1 =	rddreg [dreg:$0x1];
	p0 =	sne.s32 s2, $0x0  }
0xd3: {  	s3 =	rddreg [dreg:$0x2];
	[bflag:$0x3] =	sbarrier.arrive $0xFFFF;
	s2 =	simm.s32 @!p0 $0x1C04  }
0xd4: {  	[timem:s3], [sflag:s2] =	dma.local @!p0 [hbm:s0], s1  }
0xd5: {  	s0 =	simm.s32 @!p0 $0x4  }
0xd6: {  	_ =	swait.ge @!p0 [sflag:s0], s1  }
0xd7: {  	s1 =	ssub.s32 @!p0 $0x0, s1;
	[sflag:s0] =	ssyncset.done @!p0 $0x0  }
0xd8: {  	[sflag:s0] =	ssyncadd.s32 @!p0 s1  }
0xd9: {  	[bflag:$0x3] =	sbarrier.arrive $0xFFFF  }
0xda: {  	_ =	shalt  }

</sc_bundles>
